<compile_context>
chip_gen: v7x
topology: tpu7x:2x2x1
jax: 0.10.2.dev20260603
libtpu: 0.0.44.dev20260713+nightly
codegen_flags: <defaults>
</compile_context>

<pallas_src>
import functools

import numpy as np
import jax
import jax.numpy as jnp
from jax import lax
from jax.experimental import pallas as pl
from jax.experimental.pallas import tpu as pltpu
from jax.experimental.pallas import tpu_sc as plsc

_T = 48
_LANES = 16
_GRP = 8
_CHUNK = _LANES * _GRP
_NC, _NS = 2, 16
_NW = _NC * _NS
_NM = 5
_NMP = 8


def _topo_w():
    w = np.sin(np.arange(_T * 8, dtype=np.float64).reshape(_T, 8))
    w = np.exp(w) / np.exp(w).sum(axis=1, keepdims=True)
    return w.astype(np.float32)


_CORNERS = np.array(
    [[di, dj, dk] for di in (0, 1) for dj in (0, 1) for dk in (0, 1)],
    dtype=np.float32)


def _sc_moments(xs, ys, zs, P, C):
    ncells = C * C * C
    per_tile = xs.shape[0] // _NW
    n_chunks = per_tile // _CHUNK
    rpt = ncells // _NS

    mesh = plsc.VectorSubcoreMesh(core_axis_name="c", subcore_axis_name="s")

    def body(xs_hbm, ys_hbm, zs_hbm, zeros_hbm, out_hbm,
             xb, yb, zb, cb0, cb1, cb2, cb3, cb4, idxb, zbuf,
             t0, t1, t2, t3, t4, sem):
        tables = (t0, t1, t2, t3, t4)
        cbufs = (cb0, cb1, cb2, cb3, cb4)
        c = lax.axis_index("c")
        s = lax.axis_index("s")
        base = (c * _NS + s) * per_tile
        pltpu.sync_copy(xs_hbm.at[pl.ds(base, per_tile)], xb)
        pltpu.sync_copy(ys_hbm.at[pl.ds(base, per_tile)], yb)
        pltpu.sync_copy(zs_hbm.at[pl.ds(base, per_tile)], zb)
        for t in tables:
            pltpu.sync_copy(zeros_hbm, t.at[pl.ds(s * rpt, rpt)])
        pltpu.sync_copy(zeros_hbm, zbuf)
        plsc.subcore_barrier()

        lanes = lax.iota(jnp.int32, _LANES)

        def chunk_body(ch, carry):
            for g in range(_GRP):
                off = ch * _CHUNK + g * _LANES
                x = xb[pl.ds(off, _LANES)]
                y = yb[pl.ds(off, _LANES)]
                z = zb[pl.ds(off, _LANES)]
                xi = jnp.minimum(x.astype(jnp.int32), C - 1)
                yi = jnp.minimum(y.astype(jnp.int32), C - 1)
                zi = jnp.minimum(z.astype(jnp.int32), C - 1)
                px = x - xi.astype(jnp.float32)
                py = y - yi.astype(jnp.float32)
                pz = z - zi.astype(jnp.float32)
                q = px * px + py * py + pz * pz
                cid = (xi * C + yi) * C + zi
                gi = base + off + lanes
                cnt = jnp.where(gi < P, jnp.float32(1.0), jnp.float32(0.0))
                sl = pl.ds(g * _LANES, _LANES)
                cb0[sl] = cnt
                cb1[sl] = px
                cb2[sl] = py
                cb3[sl] = pz
                cb4[sl] = q
                idxb[sl] = cid
            handles = [pltpu.async_copy(cb, t.at[idxb], sem, add=True)
                       for t, cb in zip(tables, cbufs)]
            for h in handles:
                h.wait()
            return carry

        lax.fori_loop(0, n_chunks, chunk_body, 0)
        plsc.subcore_barrier()
        for col, t in enumerate(tables):
            pltpu.sync_copy(
                t.at[pl.ds(s * rpt, rpt)],
                out_hbm.at[pl.ds((c * _NMP + col) * ncells + s * rpt, rpt)])
        for col in range(_NM, _NMP):
            pltpu.sync_copy(
                zbuf,
                out_hbm.at[pl.ds((c * _NMP + col) * ncells + s * rpt, rpt)])

    kfn = pl.kernel(
        body,
        out_type=jax.ShapeDtypeStruct((_NC * _NMP * ncells,), jnp.float32),
        mesh=mesh,
        scratch_types=[
            pltpu.VMEM((per_tile,), jnp.float32),
            pltpu.VMEM((per_tile,), jnp.float32),
            pltpu.VMEM((per_tile,), jnp.float32),
            pltpu.VMEM((_CHUNK,), jnp.float32),
            pltpu.VMEM((_CHUNK,), jnp.float32),
            pltpu.VMEM((_CHUNK,), jnp.float32),
            pltpu.VMEM((_CHUNK,), jnp.float32),
            pltpu.VMEM((_CHUNK,), jnp.float32),
            pltpu.VMEM((_CHUNK,), jnp.int32),
            pltpu.VMEM((rpt,), jnp.float32),
            pltpu.VMEM_SHARED((ncells,), jnp.float32),
            pltpu.VMEM_SHARED((ncells,), jnp.float32),
            pltpu.VMEM_SHARED((ncells,), jnp.float32),
            pltpu.VMEM_SHARED((ncells,), jnp.float32),
            pltpu.VMEM_SHARED((ncells,), jnp.float32),
            pltpu.SemaphoreType.DMA,
        ],
    )
    return kfn(xs, ys, zs, jnp.zeros((rpt,), jnp.float32))


def _tc_body(C, x_ref, m_ref, wt_ref, cr_ref, o_ref):
    f32 = jnp.float32
    blk = x_ref.shape[2]
    i = pl.program_id(0)
    cid = i * blk + lax.broadcasted_iota(jnp.int32, (1, blk), 1)
    cellf = [(cid // (C * C)).astype(f32),
             ((cid // C) % C).astype(f32),
             (cid % C).astype(f32)]
    m = m_ref[0] + m_ref[1]
    cnt = m[0:1, :]
    sx = m[1:2, :]
    sy = m[2:3, :]
    sz = m[3:4, :]
    q = m[4:5, :]
    wb = wt_ref[...].astype(jnp.bfloat16)
    mm = (((1,), (0,)), ((), ()))
    a = []
    for d in range(3):
        base = cr_ref[:, d:d + 1] + cellf[d]
        xab = (base + x_ref[d]).astype(jnp.bfloat16)
        a.append(lax.dot_general(wb, xab, mm,
                                 preferred_element_type=f32))
    ax = a[0] - cellf[0]
    ay = a[1] - cellf[1]
    az = a[2] - cellf[2]
    n2 = ax * ax + ay * ay + az * az
    ot = q + cnt * n2 - 2.0 * (sx * ax + sy * ay + sz * az)
    o_ref[...] = jnp.swapaxes(ot, 0, 1)


def kernel(offset, points):
    N = offset.shape[1]
    C = N - 1
    ncells = C * C * C
    P = points.shape[0]

    per_tile = -(-P // (_NW * _CHUNK)) * _CHUNK
    ppad = per_tile * _NW
    pts_t = jnp.pad(jnp.transpose(points), ((0, 0), (0, ppad - P)))
    mflat = _sc_moments(pts_t[0], pts_t[1], pts_t[2], P, C)
    moments = mflat.reshape(_NC, _NMP, ncells)

    slabs = []
    for di in (0, 1):
        for dj in (0, 1):
            for dk in (0, 1):
                slabs.append(
                    offset[:, di:di + C, dj:dj + C, dk:dk + C].reshape(3, ncells))
    x_slabs = jnp.stack(slabs, axis=1)

    w = _topo_w()
    wt = jnp.asarray(w)
    cr = jnp.asarray(_CORNERS)

    blk = 4096
    out = pl.pallas_call(
        functools.partial(_tc_body, C),
        grid=(ncells // blk,),
        in_specs=[
            pl.BlockSpec((3, 8, blk), lambda i: (0, 0, i)),
            pl.BlockSpec((_NC, _NMP, blk), lambda i: (0, 0, i)),
            pl.BlockSpec((_T, 8), lambda i: (0, 0)),
            pl.BlockSpec((8, 3), lambda i: (0, 0)),
        ],
        out_specs=pl.BlockSpec((blk, _T), lambda i: (i, 0)),
        out_shape=jax.ShapeDtypeStruct((ncells, _T), jnp.float32),
    )(x_slabs, moments, wt, cr)
    return out

# --- scband reference (transcript-rebuilt; emitter-appended) ---
"""Pipeline reference for scband-dist-pts-topo-69020124447083 (READ-ONLY COPY).

The authoritative reference and input builder live on the scoring server;
editing this copy changes nothing except your own understanding.
"""

import jax, jax.numpy as jnp
import numpy as np

T = 48

def _topo_weights():
    # Deterministic stand-in for the 48 marching-cubes topology templates:
    # each topology t is represented by a convex weighting over the 8 cell corners.
    w = np.sin(np.arange(T * 8, dtype=np.float64).reshape(T, 8))
    w = np.exp(w) / np.exp(w).sum(axis=1, keepdims=True)
    return jnp.asarray(w, dtype=jnp.float32)


def setup_inputs(seed: int = 0) -> dict:
    key = jax.random.key(seed)
    k1, k2 = jax.random.split(key)
    N = 65
    P = 200000
    # vertex displacement grid, small offsets as in Deep Marching Cubes
    offset = 0.1 * jax.random.normal(k1, (3, N, N, N), dtype=jnp.float32)
    # points live in the grid coordinate frame [0, N-1)
    points = jax.random.uniform(k2, (P, 3), dtype=jnp.float32) * (N - 1)
    return {"offset": offset, "points": points}


def reference(offset, points):
    # offset: [3, N, N, N] vertex displacement grid
    # points: [P, 3] point cloud in grid coordinates
    # returns distances_full: [(N-1)^3, T] accumulated point-to-topology distances per cell
    N = offset.shape[1]
    C = N - 1
    W = _topo_weights()  # [T, 8]

    # containing cell of each point
    cell = jnp.clip(jnp.floor(points).astype(jnp.int32), 0, C - 1)  # [P, 3]
    cell_id = cell[:, 0] * (C * C) + cell[:, 1] * C + cell[:, 2]  # [P]

    # 8 cell corners
    d = jnp.asarray([[di, dj, dk] for di in (0, 1) for dj in (0, 1) for dk in (0, 1)], dtype=jnp.int32)  # [8,3]
    corner_idx = cell[:, None, :] + d[None, :, :]  # [P, 8, 3]

    # gather corner displacements from the offset grid
    off = offset[:, corner_idx[..., 0], corner_idx[..., 1], corner_idx[..., 2]]  # [3, P, 8]
    off = jnp.transpose(off, (1, 2, 0))  # [P, 8, 3]
    corner_pos = corner_idx.astype(offset.dtype) + off  # [P, 8, 3]

    # topology anchor points: convex combination of (displaced) cell corners per topology
    anchors = jnp.einsum('tc,pcd->ptd', W, corner_pos)  # [P, T, 3]

    # squared distance of each point to each of the T topology anchors of its cell
    diff = points[:, None, :] - anchors  # [P, T, 3]
    dist = jnp.sum(diff * diff, axis=-1)  # [P, T]

    # scatter-add per containing cell
    distances_full = jnp.zeros((C * C * C, T), dtype=offset.dtype).at[cell_id].add(dist)
    return distances_full

if __name__ == "__main__":
    import jax
    _d = setup_inputs()
    print(jax.jit(kernel)(*tuple(_d.values())))

</pallas_src>

<mosaic_0001>
#map = affine_map<(d0, d1) -> (0)>
module attributes {stable_mosaic.version = 14 : i64} {
  func.func @body(%arg0: i32, %arg1: i32, %arg2: memref<200704xf32, #tpu.memory_space<hbm>>, %arg3: memref<200704xf32, #tpu.memory_space<hbm>>, %arg4: memref<200704xf32, #tpu.memory_space<hbm>>, %arg5: memref<16384xf32, #tpu.memory_space<hbm>>, %arg6: memref<4194304xf32, #tpu.memory_space<hbm>>, %arg7: memref<6272xf32, #tpu.memory_space<vmem>>, %arg8: memref<6272xf32, #tpu.memory_space<vmem>>, %arg9: memref<6272xf32, #tpu.memory_space<vmem>>, %arg10: memref<128xf32, #tpu.memory_space<vmem>>, %arg11: memref<128xf32, #tpu.memory_space<vmem>>, %arg12: memref<128xf32, #tpu.memory_space<vmem>>, %arg13: memref<128xf32, #tpu.memory_space<vmem>>, %arg14: memref<128xf32, #tpu.memory_space<vmem>>, %arg15: memref<128xi32, #tpu.memory_space<vmem>>, %arg16: memref<16384xf32, #tpu.memory_space<vmem>>, %arg17: memref<262144xf32, #tpu.memory_space<vmem_shared>>, %arg18: memref<262144xf32, #tpu.memory_space<vmem_shared>>, %arg19: memref<262144xf32, #tpu.memory_space<vmem_shared>>, %arg20: memref<262144xf32, #tpu.memory_space<vmem_shared>>, %arg21: memref<262144xf32, #tpu.memory_space<vmem_shared>>, %arg22: memref<!tpu.dma_semaphore, #tpu.memory_space<semaphore_mem>>) attributes {dimension_semantics = [#tpu.dimension_semantics<core_parallel>, #tpu.dimension_semantics<subcore_parallel>], iteration_bounds = array<i64: 2, 16>, scalar_prefetch = 0 : i64, scratch_operands = 16 : i64, tpu.core_type = #tpu.core_type<sc_vector_subcore>, window_params = [{transform_indices = #map}, {transform_indices = #map}, {transform_indices = #map}, {transform_indices = #map}, {transform_indices = #map}]} {
    %mul3A = arith.constant 16 : i32
    %mul3A_0 = arith.muli %arg0, %mul3A : i32
    %add3A = arith.addi %mul3A_0, %arg1 : i32
    %mul3A_1 = arith.constant 6272 : i32
    %mul3A_2 = arith.muli %add3A, %mul3A_1 : i32
    "tpu.region"() ({
      %run_scoped3A = tpu.sem_alloc : memref<!tpu.dma_semaphore, #tpu.memory_space<semaphore_mem>>
      %dma_start3A = tpu.memref_slice %arg2[%mul3A_2] : memref<200704xf32, #tpu.memory_space<hbm>> -> memref<6272xf32, #tpu.memory_space<hbm>>
      %dma_start3A_101 = tpu.memref_slice %arg2[%mul3A_2] : memref<200704xf32, #tpu.memory_space<hbm>> -> memref<6272xf32, #tpu.memory_space<hbm>>
      tpu.enqueue_dma source(%dma_start3A_101 : memref<6272xf32, #tpu.memory_space<hbm>>) target(%arg7 : memref<6272xf32, #tpu.memory_space<vmem>>) target_semaphore(%run_scoped3A : memref<!tpu.dma_semaphore, #tpu.memory_space<semaphore_mem>>)
      %dma_wait3A = tpu.memref_slice %arg2[%mul3A_2] : memref<200704xf32, #tpu.memory_space<hbm>> -> memref<6272xf32, #tpu.memory_space<hbm>>
      %dma_wait3A_102 = tpu.memref_slice %arg2[%mul3A_2] : memref<200704xf32, #tpu.memory_space<hbm>> -> memref<6272xf32, #tpu.memory_space<hbm>>
      tpu.wait_dma2 semaphore(%run_scoped3A : memref<!tpu.dma_semaphore, #tpu.memory_space<semaphore_mem>>) src(%dma_wait3A_102 : memref<6272xf32, #tpu.memory_space<hbm>>) dst(%arg7 : memref<6272xf32, #tpu.memory_space<vmem>>)
      tpu.yield
    }) : () -> ()
    "tpu.region"() ({
      %run_scoped3A = tpu.sem_alloc : memref<!tpu.dma_semaphore, #tpu.memory_space<semaphore_mem>>
      %dma_start3A = tpu.memref_slice %arg3[%mul3A_2] : memref<200704xf32, #tpu.memory_space<hbm>> -> memref<6272xf32, #tpu.memory_space<hbm>>
      %dma_start3A_101 = tpu.memref_slice %arg3[%mul3A_2] : memref<200704xf32, #tpu.memory_space<hbm>> -> memref<6272xf32, #tpu.memory_space<hbm>>
      tpu.enqueue_dma source(%dma_start3A_101 : memref<6272xf32, #tpu.memory_space<hbm>>) target(%arg8 : memref<6272xf32, #tpu.memory_space<vmem>>) target_semaphore(%run_scoped3A : memref<!tpu.dma_semaphore, #tpu.memory_space<semaphore_mem>>)
      %dma_wait3A = tpu.memref_slice %arg3[%mul3A_2] : memref<200704xf32, #tpu.memory_space<hbm>> -> memref<6272xf32, #tpu.memory_space<hbm>>
      %dma_wait3A_102 = tpu.memref_slice %arg3[%mul3A_2] : memref<200704xf32, #tpu.memory_space<hbm>> -> memref<6272xf32, #tpu.memory_space<hbm>>
      tpu.wait_dma2 semaphore(%run_scoped3A : memref<!tpu.dma_semaphore, #tpu.memory_space<semaphore_mem>>) src(%dma_wait3A_102 : memref<6272xf32, #tpu.memory_space<hbm>>) dst(%arg8 : memref<6272xf32, #tpu.memory_space<vmem>>)
      tpu.yield
    }) : () -> ()
    "tpu.region"() ({
      %run_scoped3A = tpu.sem_alloc : memref<!tpu.dma_semaphore, #tpu.memory_space<semaphore_mem>>
      %dma_start3A = tpu.memref_slice %arg4[%mul3A_2] : memref<200704xf32, #tpu.memory_space<hbm>> -> memref<6272xf32, #tpu.memory_space<hbm>>
      %dma_start3A_101 = tpu.memref_slice %arg4[%mul3A_2] : memref<200704xf32, #tpu.memory_space<hbm>> -> memref<6272xf32, #tpu.memory_space<hbm>>
      tpu.enqueue_dma source(%dma_start3A_101 : memref<6272xf32, #tpu.memory_space<hbm>>) target(%arg9 : memref<6272xf32, #tpu.memory_space<vmem>>) target_semaphore(%run_scoped3A : memref<!tpu.dma_semaphore, #tpu.memory_space<semaphore_mem>>)
      %dma_wait3A = tpu.memref_slice %arg4[%mul3A_2] : memref<200704xf32, #tpu.memory_space<hbm>> -> memref<6272xf32, #tpu.memory_space<hbm>>
      %dma_wait3A_102 = tpu.memref_slice %arg4[%mul3A_2] : memref<200704xf32, #tpu.memory_space<hbm>> -> memref<6272xf32, #tpu.memory_space<hbm>>
      tpu.wait_dma2 semaphore(%run_scoped3A : memref<!tpu.dma_semaphore, #tpu.memory_space<semaphore_mem>>) src(%dma_wait3A_102 : memref<6272xf32, #tpu.memory_space<hbm>>) dst(%arg9 : memref<6272xf32, #tpu.memory_space<vmem>>)
      tpu.yield
    }) : () -> ()
    %mul3A_3 = arith.constant 16384 : i32
    %mul3A_4 = arith.muli %arg1, %mul3A_3 : i32
    "tpu.region"() ({
      %run_scoped3A = tpu.sem_alloc : memref<!tpu.dma_semaphore, #tpu.memory_space<semaphore_mem>>
      %dma_start3A = tpu.memref_slice %arg17[%mul3A_4] : memref<262144xf32, #tpu.memory_space<vmem_shared>> -> memref<16384xf32, #tpu.memory_space<vmem_shared>>
      tpu.enqueue_dma source(%arg5 : memref<16384xf32, #tpu.memory_space<hbm>>) target(%dma_start3A : memref<16384xf32, #tpu.memory_space<vmem_shared>>) target_semaphore(%run_scoped3A : memref<!tpu.dma_semaphore, #tpu.memory_space<semaphore_mem>>)
      %dma_wait3A = tpu.memref_slice %arg17[%mul3A_4] : memref<262144xf32, #tpu.memory_space<vmem_shared>> -> memref<16384xf32, #tpu.memory_space<vmem_shared>>
      tpu.wait_dma2 semaphore(%run_scoped3A : memref<!tpu.dma_semaphore, #tpu.memory_space<semaphore_mem>>) src(%arg5 : memref<16384xf32, #tpu.memory_space<hbm>>) dst(%dma_wait3A : memref<16384xf32, #tpu.memory_space<vmem_shared>>)
      tpu.yield
    }) : () -> ()
    %mul3A_5 = arith.constant 16384 : i32
    %mul3A_6 = arith.muli %arg1, %mul3A_5 : i32
    "tpu.region"() ({
      %run_scoped3A = tpu.sem_alloc : memref<!tpu.dma_semaphore, #tpu.memory_space<semaphore_mem>>
      %dma_start3A = tpu.memref_slice %arg18[%mul3A_6] : memref<262144xf32, #tpu.memory_space<vmem_shared>> -> memref<16384xf32, #tpu.memory_space<vmem_shared>>
      tpu.enqueue_dma source(%arg5 : memref<16384xf32, #tpu.memory_space<hbm>>) target(%dma_start3A : memref<16384xf32, #tpu.memory_space<vmem_shared>>) target_semaphore(%run_scoped3A : memref<!tpu.dma_semaphore, #tpu.memory_space<semaphore_mem>>)
      %dma_wait3A = tpu.memref_slice %arg18[%mul3A_6] : memref<262144xf32, #tpu.memory_space<vmem_shared>> -> memref<16384xf32, #tpu.memory_space<vmem_shared>>
      tpu.wait_dma2 semaphore(%run_scoped3A : memref<!tpu.dma_semaphore, #tpu.memory_space<semaphore_mem>>) src(%arg5 : memref<16384xf32, #tpu.memory_space<hbm>>) dst(%dma_wait3A : memref<16384xf32, #tpu.memory_space<vmem_shared>>)
      tpu.yield
    }) : () -> ()
    %mul3A_7 = arith.constant 16384 : i32
    %mul3A_8 = arith.muli %arg1, %mul3A_7 : i32
    "tpu.region"() ({
      %run_scoped3A = tpu.sem_alloc : memref<!tpu.dma_semaphore, #tpu.memory_space<semaphore_mem>>
      %dma_start3A = tpu.memref_slice %arg19[%mul3A_8] : memref<262144xf32, #tpu.memory_space<vmem_shared>> -> memref<16384xf32, #tpu.memory_space<vmem_shared>>
      tpu.enqueue_dma source(%arg5 : memref<16384xf32, #tpu.memory_space<hbm>>) target(%dma_start3A : memref<16384xf32, #tpu.memory_space<vmem_shared>>) target_semaphore(%run_scoped3A : memref<!tpu.dma_semaphore, #tpu.memory_space<semaphore_mem>>)
      %dma_wait3A = tpu.memref_slice %arg19[%mul3A_8] : memref<262144xf32, #tpu.memory_space<vmem_shared>> -> memref<16384xf32, #tpu.memory_space<vmem_shared>>
      tpu.wait_dma2 semaphore(%run_scoped3A : memref<!tpu.dma_semaphore, #tpu.memory_space<semaphore_mem>>) src(%arg5 : memref<16384xf32, #tpu.memory_space<hbm>>) dst(%dma_wait3A : memref<16384xf32, #tpu.memory_space<vmem_shared>>)
      tpu.yield
    }) : () -> ()
    %mul3A_9 = arith.constant 16384 : i32
    %mul3A_10 = arith.muli %arg1, %mul3A_9 : i32
    "tpu.region"() ({
      %run_scoped3A = tpu.sem_alloc : memref<!tpu.dma_semaphore, #tpu.memory_space<semaphore_mem>>
      %dma_start3A = tpu.memref_slice %arg20[%mul3A_10] : memref<262144xf32, #tpu.memory_space<vmem_shared>> -> memref<16384xf32, #tpu.memory_space<vmem_shared>>
      tpu.enqueue_dma source(%arg5 : memref<16384xf32, #tpu.memory_space<hbm>>) target(%dma_start3A : memref<16384xf32, #tpu.memory_space<vmem_shared>>) target_semaphore(%run_scoped3A : memref<!tpu.dma_semaphore, #tpu.memory_space<semaphore_mem>>)
      %dma_wait3A = tpu.memref_slice %arg20[%mul3A_10] : memref<262144xf32, #tpu.memory_space<vmem_shared>> -> memref<16384xf32, #tpu.memory_space<vmem_shared>>
      tpu.wait_dma2 semaphore(%run_scoped3A : memref<!tpu.dma_semaphore, #tpu.memory_space<semaphore_mem>>) src(%arg5 : memref<16384xf32, #tpu.memory_space<hbm>>) dst(%dma_wait3A : memref<16384xf32, #tpu.memory_space<vmem_shared>>)
      tpu.yield
    }) : () -> ()
    %mul3A_11 = arith.constant 16384 : i32
    %mul3A_12 = arith.muli %arg1, %mul3A_11 : i32
    "tpu.region"() ({
      %run_scoped3A = tpu.sem_alloc : memref<!tpu.dma_semaphore, #tpu.memory_space<semaphore_mem>>
      %dma_start3A = tpu.memref_slice %arg21[%mul3A_12] : memref<262144xf32, #tpu.memory_space<vmem_shared>> -> memref<16384xf32, #tpu.memory_space<vmem_shared>>
      tpu.enqueue_dma source(%arg5 : memref<16384xf32, #tpu.memory_space<hbm>>) target(%dma_start3A : memref<16384xf32, #tpu.memory_space<vmem_shared>>) target_semaphore(%run_scoped3A : memref<!tpu.dma_semaphore, #tpu.memory_space<semaphore_mem>>)
      %dma_wait3A = tpu.memref_slice %arg21[%mul3A_12] : memref<262144xf32, #tpu.memory_space<vmem_shared>> -> memref<16384xf32, #tpu.memory_space<vmem_shared>>
      tpu.wait_dma2 semaphore(%run_scoped3A : memref<!tpu.dma_semaphore, #tpu.memory_space<semaphore_mem>>) src(%arg5 : memref<16384xf32, #tpu.memory_space<hbm>>) dst(%dma_wait3A : memref<16384xf32, #tpu.memory_space<vmem_shared>>)
      tpu.yield
    }) : () -> ()
    "tpu.region"() ({
      %run_scoped3A = tpu.sem_alloc : memref<!tpu.dma_semaphore, #tpu.memory_space<semaphore_mem>>
      tpu.enqueue_dma source(%arg5 : memref<16384xf32, #tpu.memory_space<hbm>>) target(%arg16 : memref<16384xf32, #tpu.memory_space<vmem>>) target_semaphore(%run_scoped3A : memref<!tpu.dma_semaphore, #tpu.memory_space<semaphore_mem>>)
      tpu.wait_dma2 semaphore(%run_scoped3A : memref<!tpu.dma_semaphore, #tpu.memory_space<semaphore_mem>>) src(%arg5 : memref<16384xf32, #tpu.memory_space<hbm>>) dst(%arg16 : memref<16384xf32, #tpu.memory_space<vmem>>)
      tpu.yield
    }) : () -> ()
    %barrier3A = arith.constant 0 : index
    tpu.barrier barrier_id(%barrier3A)
    %iota3A = tpu.iota {dimensions = array<i32: 0>} : vector<16xi32>
    %scan3A = arith.constant 0 : i32
    %scan3A_13 = arith.constant 0 : i32
    %scan3A_14 = arith.constant 49 : i32
    %scan3A_15 = arith.addi %scan3A_13, %scan3A_14 : i32
    %scan3A_16 = arith.constant 1 : i32
    scf.for %scan3A_101 = %scan3A_13 to %scan3A_15 step %scan3A_16  : i32 {
      %mul3A_102 = arith.constant 128 : i32
      %mul3A_103 = arith.muli %scan3A_101, %mul3A_102 : i32
      %add3A_104 = arith.constant 0 : i32
      %add3A_105 = arith.addi %mul3A_103, %add3A_104 : i32
      %get3A = arith.index_cast %add3A_105 : i32 to index
      %get3A_106 = tpu.vector_load %arg7[%get3A] {strides = array<i32>} : memref<6272xf32, #tpu.memory_space<vmem>>, vector<16xf32>,
      %get3A_107 = vector.shape_cast %get3A_106 : vector<16xf32> to vector<16xf32>
      %get3A_108 = arith.index_cast %add3A_105 : i32 to index
      %get3A_109 = tpu.vector_load %arg8[%get3A_108] {strides = array<i32>} : memref<6272xf32, #tpu.memory_space<vmem>>, vector<16xf32>,
      %get3A_110 = vector.shape_cast %get3A_109 : vector<16xf32> to vector<16xf32>
      %get3A_111 = arith.index_cast %add3A_105 : i32 to index
      %get3A_112 = tpu.vector_load %arg9[%get3A_111] {strides = array<i32>} : memref<6272xf32, #tpu.memory_space<vmem>>, vector<16xf32>,
      %get3A_113 = vector.shape_cast %get3A_112 : vector<16xf32> to vector<16xf32>
      %convert_element_type3A = arith.fptosi %get3A_107 : vector<16xf32> to vector<16xi32>
      %min3A = arith.constant 63 : i32
      %min3A_114 = vector.broadcast %min3A : i32 to vector<16xi32>
      %min3A_115 = arith.minsi %convert_element_type3A, %min3A_114 : vector<16xi32>
      %convert_element_type3A_116 = arith.fptosi %get3A_110 : vector<16xf32> to vector<16xi32>
      %min3A_117 = arith.constant 63 : i32
      %min3A_118 = vector.broadcast %min3A_117 : i32 to vector<16xi32>
      %min3A_119 = arith.minsi %convert_element_type3A_116, %min3A_118 : vector<16xi32>
      %convert_element_type3A_120 = arith.fptosi %get3A_113 : vector<16xf32> to vector<16xi32>
      %min3A_121 = arith.constant 63 : i32
      %min3A_122 = vector.broadcast %min3A_121 : i32 to vector<16xi32>
      %min3A_123 = arith.minsi %convert_element_type3A_120, %min3A_122 : vector<16xi32>
      %convert_element_type3A_124 = arith.sitofp %min3A_115 : vector<16xi32> to vector<16xf32>
      %sub3A = arith.subf %get3A_107, %convert_element_type3A_124 : vector<16xf32>
      %convert_element_type3A_125 = arith.sitofp %min3A_119 : vector<16xi32> to vector<16xf32>
      %sub3A_126 = arith.subf %get3A_110, %convert_element_type3A_125 : vector<16xf32>
      %convert_element_type3A_127 = arith.sitofp %min3A_123 : vector<16xi32> to vector<16xf32>
      %sub3A_128 = arith.subf %get3A_113, %convert_element_type3A_127 : vector<16xf32>
      %mul3A_129 = arith.mulf %sub3A, %sub3A : vector<16xf32>
      %mul3A_130 = arith.mulf %sub3A_126, %sub3A_126 : vector<16xf32>
      %add3A_131 = arith.addf %mul3A_129, %mul3A_130 : vector<16xf32>
      %mul3A_132 = arith.mulf %sub3A_128, %sub3A_128 : vector<16xf32>
      %add3A_133 = arith.addf %add3A_131, %mul3A_132 : vector<16xf32>
      %mul3A_134 = arith.constant 64 : i32
      %mul3A_135 = vector.broadcast %mul3A_134 : i32 to vector<16xi32>
      %mul3A_136 = arith.muli %min3A_115, %mul3A_135 : vector<16xi32>
      %add3A_137 = arith.addi %mul3A_136, %min3A_119 : vector<16xi32>
      %mul3A_138 = arith.constant 64 : i32
      %mul3A_139 = vector.broadcast %mul3A_138 : i32 to vector<16xi32>
      %mul3A_140 = arith.muli %add3A_137, %mul3A_139 : vector<16xi32>
      %add3A_141 = arith.addi %mul3A_140, %min3A_123 : vector<16xi32>
      %add3A_142 = arith.addi %mul3A_2, %add3A_105 : i32
      %add3A_143 = vector.broadcast %add3A_142 : i32 to vector<16xi32>
      %add3A_144 = arith.addi %add3A_143, %iota3A : vector<16xi32>
      %lt3A = arith.constant 200000 : i32
      %lt3A_145 = vector.broadcast %lt3A : i32 to vector<16xi32>
      %lt3A_146 = arith.cmpi slt, %add3A_144, %lt3A_145 : vector<16xi32>
      %jit3A = arith.constant 1.000000e+00 : f32
      %jit3A_147 = arith.constant 0.000000e+00 : f32
      %broadcast_in_dim3A = vector.broadcast %jit3A : f32 to vector<16xf32>
      %broadcast_in_dim3A_148 = vector.broadcast %jit3A_147 : f32 to vector<16xf32>
      %select_n3A = arith.select %lt3A_146, %broadcast_in_dim3A, %broadcast_in_dim3A_148 : vector<16xi1>, vector<16xf32>
      %swap3A = arith.constant 0 : index
      %swap3A_149 = tpu.vector_load %arg10[%swap3A] {strides = array<i32>} : memref<128xf32, #tpu.memory_space<vmem>>, vector<16xf32>,
      %swap3A_150 = vector.shape_cast %swap3A_149 : vector<16xf32> to vector<16xf32>
      %swap3A_151 = vector.shape_cast %select_n3A : vector<16xf32> to vector<16xf32>
      tpu.vector_store %arg10[%swap3A], %swap3A_151 {strides = array<i32>} : memref<128xf32, #tpu.memory_space<vmem>>, vector<16xf32>,
      %swap3A_152 = arith.constant 0 : index
      %swap3A_153 = tpu.vector_load %arg11[%swap3A_152] {strides = array<i32>} : memref<128xf32, #tpu.memory_space<vmem>>, vector<16xf32>,
      %swap3A_154 = vector.shape_cast %swap3A_153 : vector<16xf32> to vector<16xf32>
      %swap3A_155 = vector.shape_cast %sub3A : vector<16xf32> to vector<16xf32>
      tpu.vector_store %arg11[%swap3A_152], %swap3A_155 {strides = array<i32>} : memref<128xf32, #tpu.memory_space<vmem>>, vector<16xf32>,
      %swap3A_156 = arith.constant 0 : index
      %swap3A_157 = tpu.vector_load %arg12[%swap3A_156] {strides = array<i32>} : memref<128xf32, #tpu.memory_space<vmem>>, vector<16xf32>,
      %swap3A_158 = vector.shape_cast %swap3A_157 : vector<16xf32> to vector<16xf32>
      %swap3A_159 = vector.shape_cast %sub3A_126 : vector<16xf32> to vector<16xf32>
      tpu.vector_store %arg12[%swap3A_156], %swap3A_159 {strides = array<i32>} : memref<128xf32, #tpu.memory_space<vmem>>, vector<16xf32>,
      %swap3A_160 = arith.constant 0 : index
      %swap3A_161 = tpu.vector_load %arg13[%swap3A_160] {strides = array<i32>} : memref<128xf32, #tpu.memory_space<vmem>>, vector<16xf32>,
      %swap3A_162 = vector.shape_cast %swap3A_161 : vector<16xf32> to vector<16xf32>
      %swap3A_163 = vector.shape_cast %sub3A_128 : vector<16xf32> to vector<16xf32>
      tpu.vector_store %arg13[%swap3A_160], %swap3A_163 {strides = array<i32>} : memref<128xf32, #tpu.memory_space<vmem>>, vector<16xf32>,
      %swap3A_164 = arith.constant 0 : index
      %swap3A_165 = tpu.vector_load %arg14[%swap3A_164] {strides = array<i32>} : memref<128xf32, #tpu.memory_space<vmem>>, vector<16xf32>,
      %swap3A_166 = vector.shape_cast %swap3A_165 : vector<16xf32> to vector<16xf32>
      %swap3A_167 = vector.shape_cast %add3A_133 : vector<16xf32> to vector<16xf32>
      tpu.vector_store %arg14[%swap3A_164], %swap3A_167 {strides = array<i32>} : memref<128xf32, #tpu.memory_space<vmem>>, vector<16xf32>,
      %swap3A_168 = arith.constant 0 : index
      %swap3A_169 = tpu.vector_load %arg15[%swap3A_168] {strides = array<i32>} : memref<128xi32, #tpu.memory_space<vmem>>, vector<16xi32>,
      %swap3A_170 = vector.shape_cast %swap3A_169 : vector<16xi32> to vector<16xi32>
      %swap3A_171 = vector.shape_cast %add3A_141 : vector<16xi32> to vector<16xi32>
      tpu.vector_store %arg15[%swap3A_168], %swap3A_171 {strides = array<i32>} : memref<128xi32, #tpu.memory_space<vmem>>, vector<16xi32>,
      %mul3A_172 = arith.constant 128 : i32
      %mul3A_173 = arith.muli %scan3A_101, %mul3A_172 : i32
      %add3A_174 = arith.constant 16 : i32
      %add3A_175 = arith.addi %mul3A_173, %add3A_174 : i32
      %get3A_176 = arith.index_cast %add3A_175 : i32 to index
      %get3A_177 = tpu.vector_load %arg7[%get3A_176] {strides = array<i32>} : memref<6272xf32, #tpu.memory_space<vmem>>, vector<16xf32>,
      %get3A_178 = vector.shape_cast %get3A_177 : vector<16xf32> to vector<16xf32>
      %get3A_179 = arith.index_cast %add3A_175 : i32 to index
      %get3A_180 = tpu.vector_load %arg8[%get3A_179] {strides = array<i32>} : memref<6272xf32, #tpu.memory_space<vmem>>, vector<16xf32>,
      %get3A_181 = vector.shape_cast %get3A_180 : vector<16xf32> to vector<16xf32>
      %get3A_182 = arith.index_cast %add3A_175 : i32 to index
      %get3A_183 = tpu.vector_load %arg9[%get3A_182] {strides = array<i32>} : memref<6272xf32, #tpu.memory_space<vmem>>, vector<16xf32>,
      %get3A_184 = vector.shape_cast %get3A_183 : vector<16xf32> to vector<16xf32>
      %convert_element_type3A_185 = arith.fptosi %get3A_178 : vector<16xf32> to vector<16xi32>
      %min3A_186 = arith.constant 63 : i32
      %min3A_187 = vector.broadcast %min3A_186 : i32 to vector<16xi32>
      %min3A_188 = arith.minsi %convert_element_type3A_185, %min3A_187 : vector<16xi32>
      %convert_element_type3A_189 = arith.fptosi %get3A_181 : vector<16xf32> to vector<16xi32>
      %min3A_190 = arith.constant 63 : i32
      %min3A_191 = vector.broadcast %min3A_190 : i32 to vector<16xi32>
      %min3A_192 = arith.minsi %convert_element_type3A_189, %min3A_191 : vector<16xi32>
      %convert_element_type3A_193 = arith.fptosi %get3A_184 : vector<16xf32> to vector<16xi32>
      %min3A_194 = arith.constant 63 : i32
      %min3A_195 = vector.broadcast %min3A_194 : i32 to vector<16xi32>
      %min3A_196 = arith.minsi %convert_element_type3A_193, %min3A_195 : vector<16xi32>
      %convert_element_type3A_197 = arith.sitofp %min3A_188 : vector<16xi32> to vector<16xf32>
      %sub3A_198 = arith.subf %get3A_178, %convert_element_type3A_197 : vector<16xf32>
      %convert_element_type3A_199 = arith.sitofp %min3A_192 : vector<16xi32> to vector<16xf32>
      %sub3A_200 = arith.subf %get3A_181, %convert_element_type3A_199 : vector<16xf32>
      %convert_element_type3A_201 = arith.sitofp %min3A_196 : vector<16xi32> to vector<16xf32>
      %sub3A_202 = arith.subf %get3A_184, %convert_element_type3A_201 : vector<16xf32>
      %mul3A_203 = arith.mulf %sub3A_198, %sub3A_198 : vector<16xf32>
      %mul3A_204 = arith.mulf %sub3A_200, %sub3A_200 : vector<16xf32>
      %add3A_205 = arith.addf %mul3A_203, %mul3A_204 : vector<16xf32>
      %mul3A_206 = arith.mulf %sub3A_202, %sub3A_202 : vector<16xf32>
      %add3A_207 = arith.addf %add3A_205, %mul3A_206 : vector<16xf32>
      %mul3A_208 = arith.constant 64 : i32
      %mul3A_209 = vector.broadcast %mul3A_208 : i32 to vector<16xi32>
      %mul3A_210 = arith.muli %min3A_188, %mul3A_209 : vector<16xi32>
      %add3A_211 = arith.addi %mul3A_210, %min3A_192 : vector<16xi32>
      %mul3A_212 = arith.constant 64 : i32
      %mul3A_213 = vector.broadcast %mul3A_212 : i32 to vector<16xi32>
      %mul3A_214 = arith.muli %add3A_211, %mul3A_213 : vector<16xi32>
      %add3A_215 = arith.addi %mul3A_214, %min3A_196 : vector<16xi32>
      %add3A_216 = arith.addi %mul3A_2, %add3A_175 : i32
      %add3A_217 = vector.broadcast %add3A_216 : i32 to vector<16xi32>
      %add3A_218 = arith.addi %add3A_217, %iota3A : vector<16xi32>
      %lt3A_219 = arith.constant 200000 : i32
      %lt3A_220 = vector.broadcast %lt3A_219 : i32 to vector<16xi32>
      %lt3A_221 = arith.cmpi slt, %add3A_218, %lt3A_220 : vector<16xi32>
      %jit3A_222 = arith.constant 1.000000e+00 : f32
      %jit3A_223 = arith.constant 0.000000e+00 : f32
      %broadcast_in_dim3A_224 = vector.broadcast %jit3A_222 : f32 to vector<16xf32>
      %broadcast_in_dim3A_225 = vector.broadcast %jit3A_223 : f32 to vector<16xf32>
      %select_n3A_226 = arith.select %lt3A_221, %broadcast_in_dim3A_224, %broadcast_in_dim3A_225 : vector<16xi1>, vector<16xf32>
      %swap3A_227 = arith.constant 16 : index
      %swap3A_228 = tpu.vector_load %arg10[%swap3A_227] {strides = array<i32>} : memref<128xf32, #tpu.memory_space<vmem>>, vector<16xf32>,
      %swap3A_229 = vector.shape_cast %swap3A_228 : vector<16xf32> to vector<16xf32>
      %swap3A_230 = vector.shape_cast %select_n3A_226 : vector<16xf32> to vector<16xf32>
      tpu.vector_store %arg10[%swap3A_227], %swap3A_230 {strides = array<i32>} : memref<128xf32, #tpu.memory_space<vmem>>, vector<16xf32>,
      %swap3A_231 = arith.constant 16 : index
      %swap3A_232 = tpu.vector_load %arg11[%swap3A_231] {strides = array<i32>} : memref<128xf32, #tpu.memory_space<vmem>>, vector<16xf32>,
      %swap3A_233 = vector.shape_cast %swap3A_232 : vector<16xf32> to vector<16xf32>
      %swap3A_234 = vector.shape_cast %sub3A_198 : vector<16xf32> to vector<16xf32>
      tpu.vector_store %arg11[%swap3A_231], %swap3A_234 {strides = array<i32>} : memref<128xf32, #tpu.memory_space<vmem>>, vector<16xf32>,
      %swap3A_235 = arith.constant 16 : index
      %swap3A_236 = tpu.vector_load %arg12[%swap3A_235] {strides = array<i32>} : memref<128xf32, #tpu.memory_space<vmem>>, vector<16xf32>,
      %swap3A_237 = vector.shape_cast %swap3A_236 : vector<16xf32> to vector<16xf32>
      %swap3A_238 = vector.shape_cast %sub3A_200 : vector<16xf32> to vector<16xf32>
      tpu.vector_store %arg12[%swap3A_235], %swap3A_238 {strides = array<i32>} : memref<128xf32, #tpu.memory_space<vmem>>, vector<16xf32>,
      %swap3A_239 = arith.constant 16 : index
      %swap3A_240 = tpu.vector_load %arg13[%swap3A_239] {strides = array<i32>} : memref<128xf32, #tpu.memory_space<vmem>>, vector<16xf32>,
      %swap3A_241 = vector.shape_cast %swap3A_240 : vector<16xf32> to vector<16xf32>
      %swap3A_242 = vector.shape_cast %sub3A_202 : vector<16xf32> to vector<16xf32>
      tpu.vector_store %arg13[%swap3A_239], %swap3A_242 {strides = array<i32>} : memref<128xf32, #tpu.memory_space<vmem>>, vector<16xf32>,
      %swap3A_243 = arith.constant 16 : index
      %swap3A_244 = tpu.vector_load %arg14[%swap3A_243] {strides = array<i32>} : memref<128xf32, #tpu.memory_space<vmem>>, vector<16xf32>,
      %swap3A_245 = vector.shape_cast %swap3A_244 : vector<16xf32> to vector<16xf32>
      %swap3A_246 = vector.shape_cast %add3A_207 : vector<16xf32> to vector<16xf32>
      tpu.vector_store %arg14[%swap3A_243], %swap3A_246 {strides = array<i32>} : memref<128xf32, #tpu.memory_space<vmem>>, vector<16xf32>,
      %swap3A_247 = arith.constant 16 : index
      %swap3A_248 = tpu.vector_load %arg15[%swap3A_247] {strides = array<i32>} : memref<128xi32, #tpu.memory_space<vmem>>, vector<16xi32>,
      %swap3A_249 = vector.shape_cast %swap3A_248 : vector<16xi32> to vector<16xi32>
      %swap3A_250 = vector.shape_cast %add3A_215 : vector<16xi32> to vector<16xi32>
      tpu.vector_store %arg15[%swap3A_247], %swap3A_250 {strides = array<i32>} : memref<128xi32, #tpu.memory_space<vmem>>, vector<16xi32>,
      %mul3A_251 = arith.constant 128 : i32
      %mul3A_252 = arith.muli %scan3A_101, %mul3A_251 : i32
      %add3A_253 = arith.constant 32 : i32
      %add3A_254 = arith.addi %mul3A_252, %add3A_253 : i32
      %get3A_255 = arith.index_cast %add3A_254 : i32 to index
      %get3A_256 = tpu.vector_load %arg7[%get3A_255] {strides = array<i32>} : memref<6272xf32, #tpu.memory_space<vmem>>, vector<16xf32>,
      %get3A_257 = vector.shape_cast %get3A_256 : vector<16xf32> to vector<16xf32>
      %get3A_258 = arith.index_cast %add3A_254 : i32 to index
      %get3A_259 = tpu.vector_load %arg8[%get3A_258] {strides = array<i32>} : memref<6272xf32, #tpu.memory_space<vmem>>, vector<16xf32>,
      %get3A_260 = vector.shape_cast %get3A_259 : vector<16xf32> to vector<16xf32>
      %get3A_261 = arith.index_cast %add3A_254 : i32 to index
      %get3A_262 = tpu.vector_load %arg9[%get3A_261] {strides = array<i32>} : memref<6272xf32, #tpu.memory_space<vmem>>, vector<16xf32>,
      %get3A_263 = vector.shape_cast %get3A_262 : vector<16xf32> to vector<16xf32>
      %convert_element_type3A_264 = arith.fptosi %get3A_257 : vector<16xf32> to vector<16xi32>
      %min3A_265 = arith.constant 63 : i32
      %min3A_266 = vector.broadcast %min3A_265 : i32 to vector<16xi32>
      %min3A_267 = arith.minsi %convert_element_type3A_264, %min3A_266 : vector<16xi32>
      %convert_element_type3A_268 = arith.fptosi %get3A_260 : vector<16xf32> to vector<16xi32>
      %min3A_269 = arith.constant 63 : i32
      %min3A_270 = vector.broadcast %min3A_269 : i32 to vector<16xi32>
      %min3A_271 = arith.minsi %convert_element_type3A_268, %min3A_270 : vector<16xi32>
      %convert_element_type3A_272 = arith.fptosi %get3A_263 : vector<16xf32> to vector<16xi32>
      %min3A_273 = arith.constant 63 : i32
      %min3A_274 = vector.broadcast %min3A_273 : i32 to vector<16xi32>
      %min3A_275 = arith.minsi %convert_element_type3A_272, %min3A_274 : vector<16xi32>
      %convert_element_type3A_276 = arith.sitofp %min3A_267 : vector<16xi32> to vector<16xf32>
      %sub3A_277 = arith.subf %get3A_257, %convert_element_type3A_276 : vector<16xf32>
      %convert_element_type3A_278 = arith.sitofp %min3A_271 : vector<16xi32> to vector<16xf32>
      %sub3A_279 = arith.subf %get3A_260, %convert_element_type3A_278 : vector<16xf32>
      %convert_element_type3A_280 = arith.sitofp %min3A_275 : vector<16xi32> to vector<16xf32>
      %sub3A_281 = arith.subf %get3A_263, %convert_element_type3A_280 : vector<16xf32>
      %mul3A_282 = arith.mulf %sub3A_277, %sub3A_277 : vector<16xf32>
      %mul3A_283 = arith.mulf %sub3A_279, %sub3A_279 : vector<16xf32>
      %add3A_284 = arith.addf %mul3A_282, %mul3A_283 : vector<16xf32>
      %mul3A_285 = arith.mulf %sub3A_281, %sub3A_281 : vector<16xf32>
      %add3A_286 = arith.addf %add3A_284, %mul3A_285 : vector<16xf32>
      %mul3A_287 = arith.constant 64 : i32
      %mul3A_288 = vector.broadcast %mul3A_287 : i32 to vector<16xi32>
      %mul3A_289 = arith.muli %min3A_267, %mul3A_288 : vector<16xi32>
      %add3A_290 = arith.addi %mul3A_289, %min3A_271 : vector<16xi32>
      %mul3A_291 = arith.constant 64 : i32
      %mul3A_292 = vector.broadcast %mul3A_291 : i32 to vector<16xi32>
      %mul3A_293 = arith.muli %add3A_290, %mul3A_292 : vector<16xi32>
      %add3A_294 = arith.addi %mul3A_293, %min3A_275 : vector<16xi32>
      %add3A_295 = arith.addi %mul3A_2, %add3A_254 : i32
      %add3A_296 = vector.broadcast %add3A_295 : i32 to vector<16xi32>
      %add3A_297 = arith.addi %add3A_296, %iota3A : vector<16xi32>
      %lt3A_298 = arith.constant 200000 : i32
      %lt3A_299 = vector.broadcast %lt3A_298 : i32 to vector<16xi32>
      %lt3A_300 = arith.cmpi slt, %add3A_297, %lt3A_299 : vector<16xi32>
      %jit3A_301 = arith.constant 1.000000e+00 : f32
      %jit3A_302 = arith.constant 0.000000e+00 : f32
      %broadcast_in_dim3A_303 = vector.broadcast %jit3A_301 : f32 to vector<16xf32>
      %broadcast_in_dim3A_304 = vector.broadcast %jit3A_302 : f32 to vector<16xf32>
      %select_n3A_305 = arith.select %lt3A_300, %broadcast_in_dim3A_303, %broadcast_in_dim3A_304 : vector<16xi1>, vector<16xf32>
      %swap3A_306 = arith.constant 32 : index
      %swap3A_307 = tpu.vector_load %arg10[%swap3A_306] {strides = array<i32>} : memref<128xf32, #tpu.memory_space<vmem>>, vector<16xf32>,
      %swap3A_308 = vector.shape_cast %swap3A_307 : vector<16xf32> to vector<16xf32>
      %swap3A_309 = vector.shape_cast %select_n3A_305 : vector<16xf32> to vector<16xf32>
      tpu.vector_store %arg10[%swap3A_306], %swap3A_309 {strides = array<i32>} : memref<128xf32, #tpu.memory_space<vmem>>, vector<16xf32>,
      %swap3A_310 = arith.constant 32 : index
      %swap3A_311 = tpu.vector_load %arg11[%swap3A_310] {strides = array<i32>} : memref<128xf32, #tpu.memory_space<vmem>>, vector<16xf32>,
      %swap3A_312 = vector.shape_cast %swap3A_311 : vector<16xf32> to vector<16xf32>
      %swap3A_313 = vector.shape_cast %sub3A_277 : vector<16xf32> to vector<16xf32>
      tpu.vector_store %arg11[%swap3A_310], %swap3A_313 {strides = array<i32>} : memref<128xf32, #tpu.memory_space<vmem>>, vector<16xf32>,
      %swap3A_314 = arith.constant 32 : index
      %swap3A_315 = tpu.vector_load %arg12[%swap3A_314] {strides = array<i32>} : memref<128xf32, #tpu.memory_space<vmem>>, vector<16xf32>,
      %swap3A_316 = vector.shape_cast %swap3A_315 : vector<16xf32> to vector<16xf32>
      %swap3A_317 = vector.shape_cast %sub3A_279 : vector<16xf32> to vector<16xf32>
      tpu.vector_store %arg12[%swap3A_314], %swap3A_317 {strides = array<i32>} : memref<128xf32, #tpu.memory_space<vmem>>, vector<16xf32>,
      %swap3A_318 = arith.constant 32 : index
      %swap3A_319 = tpu.vector_load %arg13[%swap3A_318] {strides = array<i32>} : memref<128xf32, #tpu.memory_space<vmem>>, vector<16xf32>,
      %swap3A_320 = vector.shape_cast %swap3A_319 : vector<16xf32> to vector<16xf32>
      %swap3A_321 = vector.shape_cast %sub3A_281 : vector<16xf32> to vector<16xf32>
      tpu.vector_store %arg13[%swap3A_318], %swap3A_321 {strides = array<i32>} : memref<128xf32, #tpu.memory_space<vmem>>, vector<16xf32>,
      %swap3A_322 = arith.constant 32 : index
      %swap3A_323 = tpu.vector_load %arg14[%swap3A_322] {strides = array<i32>} : memref<128xf32, #tpu.memory_space<vmem>>, vector<16xf32>,
      %swap3A_324 = vector.shape_cast %swap3A_323 : vector<16xf32> to vector<16xf32>
      %swap3A_325 = vector.shape_cast %add3A_286 : vector<16xf32> to vector<16xf32>
      tpu.vector_store %arg14[%swap3A_322], %swap3A_325 {strides = array<i32>} : memref<128xf32, #tpu.memory_space<vmem>>, vector<16xf32>,
      %swap3A_326 = arith.constant 32 : index
      %swap3A_327 = tpu.vector_load %arg15[%swap3A_326] {strides = array<i32>} : memref<128xi32, #tpu.memory_space<vmem>>, vector<16xi32>,
      %swap3A_328 = vector.shape_cast %swap3A_327 : vector<16xi32> to vector<16xi32>
      %swap3A_329 = vector.shape_cast %add3A_294 : vector<16xi32> to vector<16xi32>
      tpu.vector_store %arg15[%swap3A_326], %swap3A_329 {strides = array<i32>} : memref<128xi32, #tpu.memory_space<vmem>>, vector<16xi32>,
      %mul3A_330 = arith.constant 128 : i32
      %mul3A_331 = arith.muli %scan3A_101, %mul3A_330 : i32
      %add3A_332 = arith.constant 48 : i32
      %add3A_333 = arith.addi %mul3A_331, %add3A_332 : i32
      %get3A_334 = arith.index_cast %add3A_333 : i32 to index
      %get3A_335 = tpu.vector_load %arg7[%get3A_334] {strides = array<i32>} : memref<6272xf32, #tpu.memory_space<vmem>>, vector<16xf32>,
      %get3A_336 = vector.shape_cast %get3A_335 : vector<16xf32> to vector<16xf32>
      %get3A_337 = arith.index_cast %add3A_333 : i32 to index
      %get3A_338 = tpu.vector_load %arg8[%get3A_337] {strides = array<i32>} : memref<6272xf32, #tpu.memory_space<vmem>>, vector<16xf32>,
      %get3A_339 = vector.shape_cast %get3A_338 : vector<16xf32> to vector<16xf32>
      %get3A_340 = arith.index_cast %add3A_333 : i32 to index
      %get3A_341 = tpu.vector_load %arg9[%get3A_340] {strides = array<i32>} : memref<6272xf32, #tpu.memory_space<vmem>>, vector<16xf32>,
      %get3A_342 = vector.shape_cast %get3A_341 : vector<16xf32> to vector<16xf32>
      %convert_element_type3A_343 = arith.fptosi %get3A_336 : vector<16xf32> to vector<16xi32>
      %min3A_344 = arith.constant 63 : i32
      %min3A_345 = vector.broadcast %min3A_344 : i32 to vector<16xi32>
      %min3A_346 = arith.minsi %convert_element_type3A_343, %min3A_345 : vector<16xi32>
      %convert_element_type3A_347 = arith.fptosi %get3A_339 : vector<16xf32> to vector<16xi32>
      %min3A_348 = arith.constant 63 : i32
      %min3A_349 = vector.broadcast %min3A_348 : i32 to vector<16xi32>
      %min3A_350 = arith.minsi %convert_element_type3A_347, %min3A_349 : vector<16xi32>
      %convert_element_type3A_351 = arith.fptosi %get3A_342 : vector<16xf32> to vector<16xi32>
      %min3A_352 = arith.constant 63 : i32
      %min3A_353 = vector.broadcast %min3A_352 : i32 to vector<16xi32>
      %min3A_354 = arith.minsi %convert_element_type3A_351, %min3A_353 : vector<16xi32>
      %convert_element_type3A_355 = arith.sitofp %min3A_346 : vector<16xi32> to vector<16xf32>
      %sub3A_356 = arith.subf %get3A_336, %convert_element_type3A_355 : vector<16xf32>
      %convert_element_type3A_357 = arith.sitofp %min3A_350 : vector<16xi32> to vector<16xf32>
      %sub3A_358 = arith.subf %get3A_339, %convert_element_type3A_357 : vector<16xf32>
      %convert_element_type3A_359 = arith.sitofp %min3A_354 : vector<16xi32> to vector<16xf32>
      %sub3A_360 = arith.subf %get3A_342, %convert_element_type3A_359 : vector<16xf32>
      %mul3A_361 = arith.mulf %sub3A_356, %sub3A_356 : vector<16xf32>
      %mul3A_362 = arith.mulf %sub3A_358, %sub3A_358 : vector<16xf32>
      %add3A_363 = arith.addf %mul3A_361, %mul3A_362 : vector<16xf32>
      %mul3A_364 = arith.mulf %sub3A_360, %sub3A_360 : vector<16xf32>
      %add3A_365 = arith.addf %add3A_363, %mul3A_364 : vector<16xf32>
      %mul3A_366 = arith.constant 64 : i32
      %mul3A_367 = vector.broadcast %mul3A_366 : i32 to vector<16xi32>
      %mul3A_368 = arith.muli %min3A_346, %mul3A_367 : vector<16xi32>
      %add3A_369 = arith.addi %mul3A_368, %min3A_350 : vector<16xi32>
      %mul3A_370 = arith.constant 64 : i32
      %mul3A_371 = vector.broadcast %mul3A_370 : i32 to vector<16xi32>
      %mul3A_372 = arith.muli %add3A_369, %mul3A_371 : vector<16xi32>
      %add3A_373 = arith.addi %mul3A_372, %min3A_354 : vector<16xi32>
      %add3A_374 = arith.addi %mul3A_2, %add3A_333 : i32
      %add3A_375 = vector.broadcast %add3A_374 : i32 to vector<16xi32>
      %add3A_376 = arith.addi %add3A_375, %iota3A : vector<16xi32>
      %lt3A_377 = arith.constant 200000 : i32
      %lt3A_378 = vector.broadcast %lt3A_377 : i32 to vector<16xi32>
      %lt3A_379 = arith.cmpi slt, %add3A_376, %lt3A_378 : vector<16xi32>
      %jit3A_380 = arith.constant 1.000000e+00 : f32
      %jit3A_381 = arith.constant 0.000000e+00 : f32
      %broadcast_in_dim3A_382 = vector.broadcast %jit3A_380 : f32 to vector<16xf32>
      %broadcast_in_dim3A_383 = vector.broadcast %jit3A_381 : f32 to vector<16xf32>
      %select_n3A_384 = arith.select %lt3A_379, %broadcast_in_dim3A_382, %broadcast_in_dim3A_383 : vector<16xi1>, vector<16xf32>
      %swap3A_385 = arith.constant 48 : index
      %swap3A_386 = tpu.vector_load %arg10[%swap3A_385] {strides = array<i32>} : memref<128xf32, #tpu.memory_space<vmem>>, vector<16xf32>,
      %swap3A_387 = vector.shape_cast %swap3A_386 : vector<16xf32> to vector<16xf32>
      %swap3A_388 = vector.shape_cast %select_n3A_384 : vector<16xf32> to vector<16xf32>
      tpu.vector_store %arg10[%swap3A_385], %swap3A_388 {strides = array<i32>} : memref<128xf32, #tpu.memory_space<vmem>>, vector<16xf32>,
      %swap3A_389 = arith.constant 48 : index
      %swap3A_390 = tpu.vector_load %arg11[%swap3A_389] {strides = array<i32>} : memref<128xf32, #tpu.memory_space<vmem>>, vector<16xf32>,
      %swap3A_391 = vector.shape_cast %swap3A_390 : vector<16xf32> to vector<16xf32>
      %swap3A_392 = vector.shape_cast %sub3A_356 : vector<16xf32> to vector<16xf32>
      tpu.vector_store %arg11[%swap3A_389], %swap3A_392 {strides = array<i32>} : memref<128xf32, #tpu.memory_space<vmem>>, vector<16xf32>,
      %swap3A_393 = arith.constant 48 : index
      %swap3A_394 = tpu.vector_load %arg12[%swap3A_393] {strides = array<i32>} : memref<128xf32, #tpu.memory_space<vmem>>, vector<16xf32>,
      %swap3A_395 = vector.shape_cast %swap3A_394 : vector<16xf32> to vector<16xf32>
      %swap3A_396 = vector.shape_cast %sub3A_358 : vector<16xf32> to vector<16xf32>
      tpu.vector_store %arg12[%swap3A_393], %swap3A_396 {strides = array<i32>} : memref<128xf32, #tpu.memory_space<vmem>>, vector<16xf32>,
      %swap3A_397 = arith.constant 48 : index
      %swap3A_398 = tpu.vector_load %arg13[%swap3A_397] {strides = array<i32>} : memref<128xf32, #tpu.memory_space<vmem>>, vector<16xf32>,
      %swap3A_399 = vector.shape_cast %swap3A_398 : vector<16xf32> to vector<16xf32>
      %swap3A_400 = vector.shape_cast %sub3A_360 : vector<16xf32> to vector<16xf32>
      tpu.vector_store %arg13[%swap3A_397], %swap3A_400 {strides = array<i32>} : memref<128xf32, #tpu.memory_space<vmem>>, vector<16xf32>,
      %swap3A_401 = arith.constant 48 : index
      %swap3A_402 = tpu.vector_load %arg14[%swap3A_401] {strides = array<i32>} : memref<128xf32, #tpu.memory_space<vmem>>, vector<16xf32>,
      %swap3A_403 = vector.shape_cast %swap3A_402 : vector<16xf32> to vector<16xf32>
      %swap3A_404 = vector.shape_cast %add3A_365 : vector<16xf32> to vector<16xf32>
      tpu.vector_store %arg14[%swap3A_401], %swap3A_404 {strides = array<i32>} : memref<128xf32, #tpu.memory_space<vmem>>, vector<16xf32>,
      %swap3A_405 = arith.constant 48 : index
      %swap3A_406 = tpu.vector_load %arg15[%swap3A_405] {strides = array<i32>} : memref<128xi32, #tpu.memory_space<vmem>>, vector<16xi32>,
      %swap3A_407 = vector.shape_cast %swap3A_406 : vector<16xi32> to vector<16xi32>
      %swap3A_408 = vector.shape_cast %add3A_373 : vector<16xi32> to vector<16xi32>
      tpu.vector_store %arg15[%swap3A_405], %swap3A_408 {strides = array<i32>} : memref<128xi32, #tpu.memory_space<vmem>>, vector<16xi32>,
      %mul3A_409 = arith.constant 128 : i32
      %mul3A_410 = arith.muli %scan3A_101, %mul3A_409 : i32
      %add3A_411 = arith.constant 64 : i32
      %add3A_412 = arith.addi %mul3A_410, %add3A_411 : i32
      %get3A_413 = arith.index_cast %add3A_412 : i32 to index
      %get3A_414 = tpu.vector_load %arg7[%get3A_413] {strides = array<i32>} : memref<6272xf32, #tpu.memory_space<vmem>>, vector<16xf32>,
      %get3A_415 = vector.shape_cast %get3A_414 : vector<16xf32> to vector<16xf32>
      %get3A_416 = arith.index_cast %add3A_412 : i32 to index
      %get3A_417 = tpu.vector_load %arg8[%get3A_416] {strides = array<i32>} : memref<6272xf32, #tpu.memory_space<vmem>>, vector<16xf32>,
      %get3A_418 = vector.shape_cast %get3A_417 : vector<16xf32> to vector<16xf32>
      %get3A_419 = arith.index_cast %add3A_412 : i32 to index
      %get3A_420 = tpu.vector_load %arg9[%get3A_419] {strides = array<i32>} : memref<6272xf32, #tpu.memory_space<vmem>>, vector<16xf32>,
      %get3A_421 = vector.shape_cast %get3A_420 : vector<16xf32> to vector<16xf32>
      %convert_element_type3A_422 = arith.fptosi %get3A_415 : vector<16xf32> to vector<16xi32>
      %min3A_423 = arith.constant 63 : i32
      %min3A_424 = vector.broadcast %min3A_423 : i32 to vector<16xi32>
      %min3A_425 = arith.minsi %convert_element_type3A_422, %min3A_424 : vector<16xi32>
      %convert_element_type3A_426 = arith.fptosi %get3A_418 : vector<16xf32> to vector<16xi32>
      %min3A_427 = arith.constant 63 : i32
      %min3A_428 = vector.broadcast %min3A_427 : i32 to vector<16xi32>
      %min3A_429 = arith.minsi %convert_element_type3A_426, %min3A_428 : vector<16xi32>
      %convert_element_type3A_430 = arith.fptosi %get3A_421 : vector<16xf32> to vector<16xi32>
      %min3A_431 = arith.constant 63 : i32
      %min3A_432 = vector.broadcast %min3A_431 : i32 to vector<16xi32>
      %min3A_433 = arith.minsi %convert_element_type3A_430, %min3A_432 : vector<16xi32>
      %convert_element_type3A_434 = arith.sitofp %min3A_425 : vector<16xi32> to vector<16xf32>
      %sub3A_435 = arith.subf %get3A_415, %convert_element_type3A_434 : vector<16xf32>
      %convert_element_type3A_436 = arith.sitofp %min3A_429 : vector<16xi32> to vector<16xf32>
      %sub3A_437 = arith.subf %get3A_418, %convert_element_type3A_436 : vector<16xf32>
      %convert_element_type3A_438 = arith.sitofp %min3A_433 : vector<16xi32> to vector<16xf32>
      %sub3A_439 = arith.subf %get3A_421, %convert_element_type3A_438 : vector<16xf32>
      %mul3A_440 = arith.mulf %sub3A_435, %sub3A_435 : vector<16xf32>
      %mul3A_441 = arith.mulf %sub3A_437, %sub3A_437 : vector<16xf32>
      %add3A_442 = arith.addf %mul3A_440, %mul3A_441 : vector<16xf32>
      %mul3A_443 = arith.mulf %sub3A_439, %sub3A_439 : vector<16xf32>
      %add3A_444 = arith.addf %add3A_442, %mul3A_443 : vector<16xf32>
      %mul3A_445 = arith.constant 64 : i32
      %mul3A_446 = vector.broadcast %mul3A_445 : i32 to vector<16xi32>
      %mul3A_447 = arith.muli %min3A_425, %mul3A_446 : vector<16xi32>
      %add3A_448 = arith.addi %mul3A_447, %min3A_429 : vector<16xi32>
      %mul3A_449 = arith.constant 64 : i32
      %mul3A_450 = vector.broadcast %mul3A_449 : i32 to vector<16xi32>
      %mul3A_451 = arith.muli %add3A_448, %mul3A_450 : vector<16xi32>
      %add3A_452 = arith.addi %mul3A_451, %min3A_433 : vector<16xi32>
      %add3A_453 = arith.addi %mul3A_2, %add3A_412 : i32
      %add3A_454 = vector.broadcast %add3A_453 : i32 to vector<16xi32>
      %add3A_455 = arith.addi %add3A_454, %iota3A : vector<16xi32>
      %lt3A_456 = arith.constant 200000 : i32
      %lt3A_457 = vector.broadcast %lt3A_456 : i32 to vector<16xi32>
      %lt3A_458 = arith.cmpi slt, %add3A_455, %lt3A_457 : vector<16xi32>
      %jit3A_459 = arith.constant 1.000000e+00 : f32
      %jit3A_460 = arith.constant 0.000000e+00 : f32
      %broadcast_in_dim3A_461 = vector.broadcast %jit3A_459 : f32 to vector<16xf32>
      %broadcast_in_dim3A_462 = vector.broadcast %jit3A_460 : f32 to vector<16xf32>
      %select_n3A_463 = arith.select %lt3A_458, %broadcast_in_dim3A_461, %broadcast_in_dim3A_462 : vector<16xi1>, vector<16xf32>
      %swap3A_464 = arith.constant 64 : index
      %swap3A_465 = tpu.vector_load %arg10[%swap3A_464] {strides = array<i32>} : memref<128xf32, #tpu.memory_space<vmem>>, vector<16xf32>,
      %swap3A_466 = vector.shape_cast %swap3A_465 : vector<16xf32> to vector<16xf32>
      %swap3A_467 = vector.shape_cast %select_n3A_463 : vector<16xf32> to vector<16xf32>
      tpu.vector_store %arg10[%swap3A_464], %swap3A_467 {strides = array<i32>} : memref<128xf32, #tpu.memory_space<vmem>>, vector<16xf32>,
      %swap3A_468 = arith.constant 64 : index
      %swap3A_469 = tpu.vector_load %arg11[%swap3A_468] {strides = array<i32>} : memref<128xf32, #tpu.memory_space<vmem>>, vector<16xf32>,
      %swap3A_470 = vector.shape_cast %swap3A_469 : vector<16xf32> to vector<16xf32>
      %swap3A_471 = vector.shape_cast %sub3A_435 : vector<16xf32> to vector<16xf32>
      tpu.vector_store %arg11[%swap3A_468], %swap3A_471 {strides = array<i32>} : memref<128xf32, #tpu.memory_space<vmem>>, vector<16xf32>,
      %swap3A_472 = arith.constant 64 : index
      %swap3A_473 = tpu.vector_load %arg12[%swap3A_472] {strides = array<i32>} : memref<128xf32, #tpu.memory_space<vmem>>, vector<16xf32>,
      %swap3A_474 = vector.shape_cast %swap3A_473 : vector<16xf32> to vector<16xf32>
      %swap3A_475 = vector.shape_cast %sub3A_437 : vector<16xf32> to vector<16xf32>
      tpu.vector_store %arg12[%swap3A_472], %swap3A_475 {strides = array<i32>} : memref<128xf32, #tpu.memory_space<vmem>>, vector<16xf32>,
      %swap3A_476 = arith.constant 64 : index
      %swap3A_477 = tpu.vector_load %arg13[%swap3A_476] {strides = array<i32>} : memref<128xf32, #tpu.memory_space<vmem>>, vector<16xf32>,
      %swap3A_478 = vector.shape_cast %swap3A_477 : vector<16xf32> to vector<16xf32>
      %swap3A_479 = vector.shape_cast %sub3A_439 : vector<16xf32> to vector<16xf32>
      tpu.vector_store %arg13[%swap3A_476], %swap3A_479 {strides = array<i32>} : memref<128xf32, #tpu.memory_space<vmem>>, vector<16xf32>,
      %swap3A_480 = arith.constant 64 : index
      %swap3A_481 = tpu.vector_load %arg14[%swap3A_480] {strides = array<i32>} : memref<128xf32, #tpu.memory_space<vmem>>, vector<16xf32>,
      %swap3A_482 = vector.shape_cast %swap3A_481 : vector<16xf32> to vector<16xf32>
      %swap3A_483 = vector.shape_cast %add3A_444 : vector<16xf32> to vector<16xf32>
      tpu.vector_store %arg14[%swap3A_480], %swap3A_483 {strides = array<i32>} : memref<128xf32, #tpu.memory_space<vmem>>, vector<16xf32>,
      %swap3A_484 = arith.constant 64 : index
      %swap3A_485 = tpu.vector_load %arg15[%swap3A_484] {strides = array<i32>} : memref<128xi32, #tpu.memory_space<vmem>>, vector<16xi32>,
      %swap3A_486 = vector.shape_cast %swap3A_485 : vector<16xi32> to vector<16xi32>
      %swap3A_487 = vector.shape_cast %add3A_452 : vector<16xi32> to vector<16xi32>
      tpu.vector_store %arg15[%swap3A_484], %swap3A_487 {strides = array<i32>} : memref<128xi32, #tpu.memory_space<vmem>>, vector<16xi32>,
      %mul3A_488 = arith.constant 128 : i32
      %mul3A_489 = arith.muli %scan3A_101, %mul3A_488 : i32
      %add3A_490 = arith.constant 80 : i32
      %add3A_491 = arith.addi %mul3A_489, %add3A_490 : i32
      %get3A_492 = arith.index_cast %add3A_491 : i32 to index
      %get3A_493 = tpu.vector_load %arg7[%get3A_492] {strides = array<i32>} : memref<6272xf32, #tpu.memory_space<vmem>>, vector<16xf32>,
      %get3A_494 = vector.shape_cast %get3A_493 : vector<16xf32> to vector<16xf32>
      %get3A_495 = arith.index_cast %add3A_491 : i32 to index
      %get3A_496 = tpu.vector_load %arg8[%get3A_495] {strides = array<i32>} : memref<6272xf32, #tpu.memory_space<vmem>>, vector<16xf32>,
      %get3A_497 = vector.shape_cast %get3A_496 : vector<16xf32> to vector<16xf32>
      %get3A_498 = arith.index_cast %add3A_491 : i32 to index
      %get3A_499 = tpu.vector_load %arg9[%get3A_498] {strides = array<i32>} : memref<6272xf32, #tpu.memory_space<vmem>>, vector<16xf32>,
      %get3A_500 = vector.shape_cast %get3A_499 : vector<16xf32> to vector<16xf32>
      %convert_element_type3A_501 = arith.fptosi %get3A_494 : vector<16xf32> to vector<16xi32>
      %min3A_502 = arith.constant 63 : i32
      %min3A_503 = vector.broadcast %min3A_502 : i32 to vector<16xi32>
      %min3A_504 = arith.minsi %convert_element_type3A_501, %min3A_503 : vector<16xi32>
      %convert_element_type3A_505 = arith.fptosi %get3A_497 : vector<16xf32> to vector<16xi32>
      %min3A_506 = arith.constant 63 : i32
      %min3A_507 = vector.broadcast %min3A_506 : i32 to vector<16xi32>
      %min3A_508 = arith.minsi %convert_element_type3A_505, %min3A_507 : vector<16xi32>
      %convert_element_type3A_509 = arith.fptosi %get3A_500 : vector<16xf32> to vector<16xi32>
      %min3A_510 = arith.constant 63 : i32
      %min3A_511 = vector.broadcast %min3A_510 : i32 to vector<16xi32>
      %min3A_512 = arith.minsi %convert_element_type3A_509, %min3A_511 : vector<16xi32>
      %convert_element_type3A_513 = arith.sitofp %min3A_504 : vector<16xi32> to vector<16xf32>
      %sub3A_514 = arith.subf %get3A_494, %convert_element_type3A_513 : vector<16xf32>
      %convert_element_type3A_515 = arith.sitofp %min3A_508 : vector<16xi32> to vector<16xf32>
      %sub3A_516 = arith.subf %get3A_497, %convert_element_type3A_515 : vector<16xf32>
      %convert_element_type3A_517 = arith.sitofp %min3A_512 : vector<16xi32> to vector<16xf32>
      %sub3A_518 = arith.subf %get3A_500, %convert_element_type3A_517 : vector<16xf32>
      %mul3A_519 = arith.mulf %sub3A_514, %sub3A_514 : vector<16xf32>
      %mul3A_520 = arith.mulf %sub3A_516, %sub3A_516 : vector<16xf32>
      %add3A_521 = arith.addf %mul3A_519, %mul3A_520 : vector<16xf32>
      %mul3A_522 = arith.mulf %sub3A_518, %sub3A_518 : vector<16xf32>
      %add3A_523 = arith.addf %add3A_521, %mul3A_522 : vector<16xf32>
      %mul3A_524 = arith.constant 64 : i32
      %mul3A_525 = vector.broadcast %mul3A_524 : i32 to vector<16xi32>
      %mul3A_526 = arith.muli %min3A_504, %mul3A_525 : vector<16xi32>
      %add3A_527 = arith.addi %mul3A_526, %min3A_508 : vector<16xi32>
      %mul3A_528 = arith.constant 64 : i32
      %mul3A_529 = vector.broadcast %mul3A_528 : i32 to vector<16xi32>
      %mul3A_530 = arith.muli %add3A_527, %mul3A_529 : vector<16xi32>
      %add3A_531 = arith.addi %mul3A_530, %min3A_512 : vector<16xi32>
      %add3A_532 = arith.addi %mul3A_2, %add3A_491 : i32
      %add3A_533 = vector.broadcast %add3A_532 : i32 to vector<16xi32>
      %add3A_534 = arith.addi %add3A_533, %iota3A : vector<16xi32>
      %lt3A_535 = arith.constant 200000 : i32
      %lt3A_536 = vector.broadcast %lt3A_535 : i32 to vector<16xi32>
      %lt3A_537 = arith.cmpi slt, %add3A_534, %lt3A_536 : vector<16xi32>
      %jit3A_538 = arith.constant 1.000000e+00 : f32
      %jit3A_539 = arith.constant 0.000000e+00 : f32
      %broadcast_in_dim3A_540 = vector.broadcast %jit3A_538 : f32 to vector<16xf32>
      %broadcast_in_dim3A_541 = vector.broadcast %jit3A_539 : f32 to vector<16xf32>
      %select_n3A_542 = arith.select %lt3A_537, %broadcast_in_dim3A_540, %broadcast_in_dim3A_541 : vector<16xi1>, vector<16xf32>
      %swap3A_543 = arith.constant 80 : index
      %swap3A_544 = tpu.vector_load %arg10[%swap3A_543] {strides = array<i32>} : memref<128xf32, #tpu.memory_space<vmem>>, vector<16xf32>,
      %swap3A_545 = vector.shape_cast %swap3A_544 : vector<16xf32> to vector<16xf32>
      %swap3A_546 = vector.shape_cast %select_n3A_542 : vector<16xf32> to vector<16xf32>
      tpu.vector_store %arg10[%swap3A_543], %swap3A_546 {strides = array<i32>} : memref<128xf32, #tpu.memory_space<vmem>>, vector<16xf32>,
      %swap3A_547 = arith.constant 80 : index
      %swap3A_548 = tpu.vector_load %arg11[%swap3A_547] {strides = array<i32>} : memref<128xf32, #tpu.memory_space<vmem>>, vector<16xf32>,
      %swap3A_549 = vector.shape_cast %swap3A_548 : vector<16xf32> to vector<16xf32>
      %swap3A_550 = vector.shape_cast %sub3A_514 : vector<16xf32> to vector<16xf32>
      tpu.vector_store %arg11[%swap3A_547], %swap3A_550 {strides = array<i32>} : memref<128xf32, #tpu.memory_space<vmem>>, vector<16xf32>,
      %swap3A_551 = arith.constant 80 : index
      %swap3A_552 = tpu.vector_load %arg12[%swap3A_551] {strides = array<i32>} : memref<128xf32, #tpu.memory_space<vmem>>, vector<16xf32>,
      %swap3A_553 = vector.shape_cast %swap3A_552 : vector<16xf32> to vector<16xf32>
      %swap3A_554 = vector.shape_cast %sub3A_516 : vector<16xf32> to vector<16xf32>
      tpu.vector_store %arg12[%swap3A_551], %swap3A_554 {strides = array<i32>} : memref<128xf32, #tpu.memory_space<vmem>>, vector<16xf32>,
      %swap3A_555 = arith.constant 80 : index
      %swap3A_556 = tpu.vector_load %arg13[%swap3A_555] {strides = array<i32>} : memref<128xf32, #tpu.memory_space<vmem>>, vector<16xf32>,
      %swap3A_557 = vector.shape_cast %swap3A_556 : vector<16xf32> to vector<16xf32>
      %swap3A_558 = vector.shape_cast %sub3A_518 : vector<16xf32> to vector<16xf32>
      tpu.vector_store %arg13[%swap3A_555], %swap3A_558 {strides = array<i32>} : memref<128xf32, #tpu.memory_space<vmem>>, vector<16xf32>,
      %swap3A_559 = arith.constant 80 : index
      %swap3A_560 = tpu.vector_load %arg14[%swap3A_559] {strides = array<i32>} : memref<128xf32, #tpu.memory_space<vmem>>, vector<16xf32>,
      %swap3A_561 = vector.shape_cast %swap3A_560 : vector<16xf32> to vector<16xf32>
      %swap3A_562 = vector.shape_cast %add3A_523 : vector<16xf32> to vector<16xf32>
      tpu.vector_store %arg14[%swap3A_559], %swap3A_562 {strides = array<i32>} : memref<128xf32, #tpu.memory_space<vmem>>, vector<16xf32>,
      %swap3A_563 = arith.constant 80 : index
      %swap3A_564 = tpu.vector_load %arg15[%swap3A_563] {strides = array<i32>} : memref<128xi32, #tpu.memory_space<vmem>>, vector<16xi32>,
      %swap3A_565 = vector.shape_cast %swap3A_564 : vector<16xi32> to vector<16xi32>
      %swap3A_566 = vector.shape_cast %add3A_531 : vector<16xi32> to vector<16xi32>
      tpu.vector_store %arg15[%swap3A_563], %swap3A_566 {strides = array<i32>} : memref<128xi32, #tpu.memory_space<vmem>>, vector<16xi32>,
      %mul3A_567 = arith.constant 128 : i32
      %mul3A_568 = arith.muli %scan3A_101, %mul3A_567 : i32
      %add3A_569 = arith.constant 96 : i32
      %add3A_570 = arith.addi %mul3A_568, %add3A_569 : i32
      %get3A_571 = arith.index_cast %add3A_570 : i32 to index
      %get3A_572 = tpu.vector_load %arg7[%get3A_571] {strides = array<i32>} : memref<6272xf32, #tpu.memory_space<vmem>>, vector<16xf32>,
      %get3A_573 = vector.shape_cast %get3A_572 : vector<16xf32> to vector<16xf32>
      %get3A_574 = arith.index_cast %add3A_570 : i32 to index
      %get3A_575 = tpu.vector_load %arg8[%get3A_574] {strides = array<i32>} : memref<6272xf32, #tpu.memory_space<vmem>>, vector<16xf32>,
      %get3A_576 = vector.shape_cast %get3A_575 : vector<16xf32> to vector<16xf32>
      %get3A_577 = arith.index_cast %add3A_570 : i32 to index
      %get3A_578 = tpu.vector_load %arg9[%get3A_577] {strides = array<i32>} : memref<6272xf32, #tpu.memory_space<vmem>>, vector<16xf32>,
      %get3A_579 = vector.shape_cast %get3A_578 : vector<16xf32> to vector<16xf32>
      %convert_element_type3A_580 = arith.fptosi %get3A_573 : vector<16xf32> to vector<16xi32>
      %min3A_581 = arith.constant 63 : i32
      %min3A_582 = vector.broadcast %min3A_581 : i32 to vector<16xi32>
      %min3A_583 = arith.minsi %convert_element_type3A_580, %min3A_582 : vector<16xi32>
      %convert_element_type3A_584 = arith.fptosi %get3A_576 : vector<16xf32> to vector<16xi32>
      %min3A_585 = arith.constant 63 : i32
      %min3A_586 = vector.broadcast %min3A_585 : i32 to vector<16xi32>
      %min3A_587 = arith.minsi %convert_element_type3A_584, %min3A_586 : vector<16xi32>
      %convert_element_type3A_588 = arith.fptosi %get3A_579 : vector<16xf32> to vector<16xi32>
      %min3A_589 = arith.constant 63 : i32
      %min3A_590 = vector.broadcast %min3A_589 : i32 to vector<16xi32>
      %min3A_591 = arith.minsi %convert_element_type3A_588, %min3A_590 : vector<16xi32>
      %convert_element_type3A_592 = arith.sitofp %min3A_583 : vector<16xi32> to vector<16xf32>
      %sub3A_593 = arith.subf %get3A_573, %convert_element_type3A_592 : vector<16xf32>
      %convert_element_type3A_594 = arith.sitofp %min3A_587 : vector<16xi32> to vector<16xf32>
      %sub3A_595 = arith.subf %get3A_576, %convert_element_type3A_594 : vector<16xf32>
      %convert_element_type3A_596 = arith.sitofp %min3A_591 : vector<16xi32> to vector<16xf32>
      %sub3A_597 = arith.subf %get3A_579, %convert_element_type3A_596 : vector<16xf32>
      %mul3A_598 = arith.mulf %sub3A_593, %sub3A_593 : vector<16xf32>
      %mul3A_599 = arith.mulf %sub3A_595, %sub3A_595 : vector<16xf32>
      %add3A_600 = arith.addf %mul3A_598, %mul3A_599 : vector<16xf32>
      %mul3A_601 = arith.mulf %sub3A_597, %sub3A_597 : vector<16xf32>
      %add3A_602 = arith.addf %add3A_600, %mul3A_601 : vector<16xf32>
      %mul3A_603 = arith.constant 64 : i32
      %mul3A_604 = vector.broadcast %mul3A_603 : i32 to vector<16xi32>
      %mul3A_605 = arith.muli %min3A_583, %mul3A_604 : vector<16xi32>
      %add3A_606 = arith.addi %mul3A_605, %min3A_587 : vector<16xi32>
      %mul3A_607 = arith.constant 64 : i32
      %mul3A_608 = vector.broadcast %mul3A_607 : i32 to vector<16xi32>
      %mul3A_609 = arith.muli %add3A_606, %mul3A_608 : vector<16xi32>
      %add3A_610 = arith.addi %mul3A_609, %min3A_591 : vector<16xi32>
      %add3A_611 = arith.addi %mul3A_2, %add3A_570 : i32
      %add3A_612 = vector.broadcast %add3A_611 : i32 to vector<16xi32>
      %add3A_613 = arith.addi %add3A_612, %iota3A : vector<16xi32>
      %lt3A_614 = arith.constant 200000 : i32
      %lt3A_615 = vector.broadcast %lt3A_614 : i32 to vector<16xi32>
      %lt3A_616 = arith.cmpi slt, %add3A_613, %lt3A_615 : vector<16xi32>
      %jit3A_617 = arith.constant 1.000000e+00 : f32
      %jit3A_618 = arith.constant 0.000000e+00 : f32
      %broadcast_in_dim3A_619 = vector.broadcast %jit3A_617 : f32 to vector<16xf32>
      %broadcast_in_dim3A_620 = vector.broadcast %jit3A_618 : f32 to vector<16xf32>
      %select_n3A_621 = arith.select %lt3A_616, %broadcast_in_dim3A_619, %broadcast_in_dim3A_620 : vector<16xi1>, vector<16xf32>
      %swap3A_622 = arith.constant 96 : index
      %swap3A_623 = tpu.vector_load %arg10[%swap3A_622] {strides = array<i32>} : memref<128xf32, #tpu.memory_space<vmem>>, vector<16xf32>,
      %swap3A_624 = vector.shape_cast %swap3A_623 : vector<16xf32> to vector<16xf32>
      %swap3A_625 = vector.shape_cast %select_n3A_621 : vector<16xf32> to vector<16xf32>
      tpu.vector_store %arg10[%swap3A_622], %swap3A_625 {strides = array<i32>} : memref<128xf32, #tpu.memory_space<vmem>>, vector<16xf32>,
      %swap3A_626 = arith.constant 96 : index
      %swap3A_627 = tpu.vector_load %arg11[%swap3A_626] {strides = array<i32>} : memref<128xf32, #tpu.memory_space<vmem>>, vector<16xf32>,
      %swap3A_628 = vector.shape_cast %swap3A_627 : vector<16xf32> to vector<16xf32>
      %swap3A_629 = vector.shape_cast %sub3A_593 : vector<16xf32> to vector<16xf32>
      tpu.vector_store %arg11[%swap3A_626], %swap3A_629 {strides = array<i32>} : memref<128xf32, #tpu.memory_space<vmem>>, vector<16xf32>,
      %swap3A_630 = arith.constant 96 : index
      %swap3A_631 = tpu.vector_load %arg12[%swap3A_630] {strides = array<i32>} : memref<128xf32, #tpu.memory_space<vmem>>, vector<16xf32>,
      %swap3A_632 = vector.shape_cast %swap3A_631 : vector<16xf32> to vector<16xf32>
      %swap3A_633 = vector.shape_cast %sub3A_595 : vector<16xf32> to vector<16xf32>
      tpu.vector_store %arg12[%swap3A_630], %swap3A_633 {strides = array<i32>} : memref<128xf32, #tpu.memory_space<vmem>>, vector<16xf32>,
      %swap3A_634 = arith.constant 96 : index
      %swap3A_635 = tpu.vector_load %arg13[%swap3A_634] {strides = array<i32>} : memref<128xf32, #tpu.memory_space<vmem>>, vector<16xf32>,
      %swap3A_636 = vector.shape_cast %swap3A_635 : vector<16xf32> to vector<16xf32>
      %swap3A_637 = vector.shape_cast %sub3A_597 : vector<16xf32> to vector<16xf32>
      tpu.vector_store %arg13[%swap3A_634], %swap3A_637 {strides = array<i32>} : memref<128xf32, #tpu.memory_space<vmem>>, vector<16xf32>,
      %swap3A_638 = arith.constant 96 : index
      %swap3A_639 = tpu.vector_load %arg14[%swap3A_638] {strides = array<i32>} : memref<128xf32, #tpu.memory_space<vmem>>, vector<16xf32>,
      %swap3A_640 = vector.shape_cast %swap3A_639 : vector<16xf32> to vector<16xf32>
      %swap3A_641 = vector.shape_cast %add3A_602 : vector<16xf32> to vector<16xf32>
      tpu.vector_store %arg14[%swap3A_638], %swap3A_641 {strides = array<i32>} : memref<128xf32, #tpu.memory_space<vmem>>, vector<16xf32>,
      %swap3A_642 = arith.constant 96 : index
      %swap3A_643 = tpu.vector_load %arg15[%swap3A_642] {strides = array<i32>} : memref<128xi32, #tpu.memory_space<vmem>>, vector<16xi32>,
      %swap3A_644 = vector.shape_cast %swap3A_643 : vector<16xi32> to vector<16xi32>
      %swap3A_645 = vector.shape_cast %add3A_610 : vector<16xi32> to vector<16xi32>
      tpu.vector_store %arg15[%swap3A_642], %swap3A_645 {strides = array<i32>} : memref<128xi32, #tpu.memory_space<vmem>>, vector<16xi32>,
      %mul3A_646 = arith.constant 128 : i32
      %mul3A_647 = arith.muli %scan3A_101, %mul3A_646 : i32
      %add3A_648 = arith.constant 112 : i32
      %add3A_649 = arith.addi %mul3A_647, %add3A_648 : i32
      %get3A_650 = arith.index_cast %add3A_649 : i32 to index
      %get3A_651 = tpu.vector_load %arg7[%get3A_650] {strides = array<i32>} : memref<6272xf32, #tpu.memory_space<vmem>>, vector<16xf32>,
      %get3A_652 = vector.shape_cast %get3A_651 : vector<16xf32> to vector<16xf32>
      %get3A_653 = arith.index_cast %add3A_649 : i32 to index
      %get3A_654 = tpu.vector_load %arg8[%get3A_653] {strides = array<i32>} : memref<6272xf32, #tpu.memory_space<vmem>>, vector<16xf32>,
      %get3A_655 = vector.shape_cast %get3A_654 : vector<16xf32> to vector<16xf32>
      %get3A_656 = arith.index_cast %add3A_649 : i32 to index
      %get3A_657 = tpu.vector_load %arg9[%get3A_656] {strides = array<i32>} : memref<6272xf32, #tpu.memory_space<vmem>>, vector<16xf32>,
      %get3A_658 = vector.shape_cast %get3A_657 : vector<16xf32> to vector<16xf32>
      %convert_element_type3A_659 = arith.fptosi %get3A_652 : vector<16xf32> to vector<16xi32>
      %min3A_660 = arith.constant 63 : i32
      %min3A_661 = vector.broadcast %min3A_660 : i32 to vector<16xi32>
      %min3A_662 = arith.minsi %convert_element_type3A_659, %min3A_661 : vector<16xi32>
      %convert_element_type3A_663 = arith.fptosi %get3A_655 : vector<16xf32> to vector<16xi32>
      %min3A_664 = arith.constant 63 : i32
      %min3A_665 = vector.broadcast %min3A_664 : i32 to vector<16xi32>
      %min3A_666 = arith.minsi %convert_element_type3A_663, %min3A_665 : vector<16xi32>
      %convert_element_type3A_667 = arith.fptosi %get3A_658 : vector<16xf32> to vector<16xi32>
      %min3A_668 = arith.constant 63 : i32
      %min3A_669 = vector.broadcast %min3A_668 : i32 to vector<16xi32>
      %min3A_670 = arith.minsi %convert_element_type3A_667, %min3A_669 : vector<16xi32>
      %convert_element_type3A_671 = arith.sitofp %min3A_662 : vector<16xi32> to vector<16xf32>
      %sub3A_672 = arith.subf %get3A_652, %convert_element_type3A_671 : vector<16xf32>
      %convert_element_type3A_673 = arith.sitofp %min3A_666 : vector<16xi32> to vector<16xf32>
      %sub3A_674 = arith.subf %get3A_655, %convert_element_type3A_673 : vector<16xf32>
      %convert_element_type3A_675 = arith.sitofp %min3A_670 : vector<16xi32> to vector<16xf32>
      %sub3A_676 = arith.subf %get3A_658, %convert_element_type3A_675 : vector<16xf32>
      %mul3A_677 = arith.mulf %sub3A_672, %sub3A_672 : vector<16xf32>
      %mul3A_678 = arith.mulf %sub3A_674, %sub3A_674 : vector<16xf32>
      %add3A_679 = arith.addf %mul3A_677, %mul3A_678 : vector<16xf32>
      %mul3A_680 = arith.mulf %sub3A_676, %sub3A_676 : vector<16xf32>
      %add3A_681 = arith.addf %add3A_679, %mul3A_680 : vector<16xf32>
      %mul3A_682 = arith.constant 64 : i32
      %mul3A_683 = vector.broadcast %mul3A_682 : i32 to vector<16xi32>
      %mul3A_684 = arith.muli %min3A_662, %mul3A_683 : vector<16xi32>
      %add3A_685 = arith.addi %mul3A_684, %min3A_666 : vector<16xi32>
      %mul3A_686 = arith.constant 64 : i32
      %mul3A_687 = vector.broadcast %mul3A_686 : i32 to vector<16xi32>
      %mul3A_688 = arith.muli %add3A_685, %mul3A_687 : vector<16xi32>
      %add3A_689 = arith.addi %mul3A_688, %min3A_670 : vector<16xi32>
      %add3A_690 = arith.addi %mul3A_2, %add3A_649 : i32
      %add3A_691 = vector.broadcast %add3A_690 : i32 to vector<16xi32>
      %add3A_692 = arith.addi %add3A_691, %iota3A : vector<16xi32>
      %lt3A_693 = arith.constant 200000 : i32
      %lt3A_694 = vector.broadcast %lt3A_693 : i32 to vector<16xi32>
      %lt3A_695 = arith.cmpi slt, %add3A_692, %lt3A_694 : vector<16xi32>
      %jit3A_696 = arith.constant 1.000000e+00 : f32
      %jit3A_697 = arith.constant 0.000000e+00 : f32
      %broadcast_in_dim3A_698 = vector.broadcast %jit3A_696 : f32 to vector<16xf32>
      %broadcast_in_dim3A_699 = vector.broadcast %jit3A_697 : f32 to vector<16xf32>
      %select_n3A_700 = arith.select %lt3A_695, %broadcast_in_dim3A_698, %broadcast_in_dim3A_699 : vector<16xi1>, vector<16xf32>
      %swap3A_701 = arith.constant 112 : index
      %swap3A_702 = tpu.vector_load %arg10[%swap3A_701] {strides = array<i32>} : memref<128xf32, #tpu.memory_space<vmem>>, vector<16xf32>,
      %swap3A_703 = vector.shape_cast %swap3A_702 : vector<16xf32> to vector<16xf32>
      %swap3A_704 = vector.shape_cast %select_n3A_700 : vector<16xf32> to vector<16xf32>
      tpu.vector_store %arg10[%swap3A_701], %swap3A_704 {strides = array<i32>} : memref<128xf32, #tpu.memory_space<vmem>>, vector<16xf32>,
      %swap3A_705 = arith.constant 112 : index
      %swap3A_706 = tpu.vector_load %arg11[%swap3A_705] {strides = array<i32>} : memref<128xf32, #tpu.memory_space<vmem>>, vector<16xf32>,
      %swap3A_707 = vector.shape_cast %swap3A_706 : vector<16xf32> to vector<16xf32>
      %swap3A_708 = vector.shape_cast %sub3A_672 : vector<16xf32> to vector<16xf32>
      tpu.vector_store %arg11[%swap3A_705], %swap3A_708 {strides = array<i32>} : memref<128xf32, #tpu.memory_space<vmem>>, vector<16xf32>,
      %swap3A_709 = arith.constant 112 : index
      %swap3A_710 = tpu.vector_load %arg12[%swap3A_709] {strides = array<i32>} : memref<128xf32, #tpu.memory_space<vmem>>, vector<16xf32>,
      %swap3A_711 = vector.shape_cast %swap3A_710 : vector<16xf32> to vector<16xf32>
      %swap3A_712 = vector.shape_cast %sub3A_674 : vector<16xf32> to vector<16xf32>
      tpu.vector_store %arg12[%swap3A_709], %swap3A_712 {strides = array<i32>} : memref<128xf32, #tpu.memory_space<vmem>>, vector<16xf32>,
      %swap3A_713 = arith.constant 112 : index
      %swap3A_714 = tpu.vector_load %arg13[%swap3A_713] {strides = array<i32>} : memref<128xf32, #tpu.memory_space<vmem>>, vector<16xf32>,
      %swap3A_715 = vector.shape_cast %swap3A_714 : vector<16xf32> to vector<16xf32>
      %swap3A_716 = vector.shape_cast %sub3A_676 : vector<16xf32> to vector<16xf32>
      tpu.vector_store %arg13[%swap3A_713], %swap3A_716 {strides = array<i32>} : memref<128xf32, #tpu.memory_space<vmem>>, vector<16xf32>,
      %swap3A_717 = arith.constant 112 : index
      %swap3A_718 = tpu.vector_load %arg14[%swap3A_717] {strides = array<i32>} : memref<128xf32, #tpu.memory_space<vmem>>, vector<16xf32>,
      %swap3A_719 = vector.shape_cast %swap3A_718 : vector<16xf32> to vector<16xf32>
      %swap3A_720 = vector.shape_cast %add3A_681 : vector<16xf32> to vector<16xf32>
      tpu.vector_store %arg14[%swap3A_717], %swap3A_720 {strides = array<i32>} : memref<128xf32, #tpu.memory_space<vmem>>, vector<16xf32>,
      %swap3A_721 = arith.constant 112 : index
      %swap3A_722 = tpu.vector_load %arg15[%swap3A_721] {strides = array<i32>} : memref<128xi32, #tpu.memory_space<vmem>>, vector<16xi32>,
      %swap3A_723 = vector.shape_cast %swap3A_722 : vector<16xi32> to vector<16xi32>
      %swap3A_724 = vector.shape_cast %add3A_689 : vector<16xi32> to vector<16xi32>
      tpu.vector_store %arg15[%swap3A_721], %swap3A_724 {strides = array<i32>} : memref<128xi32, #tpu.memory_space<vmem>>, vector<16xi32>,
      %dma_start3A = arith.constant 0 : i32
      %dma_start3A_725 = tpu.memref_slice %arg17[%dma_start3A] : memref<262144xf32, #tpu.memory_space<vmem_shared>> -> memref<262144xf32, #tpu.memory_space<vmem_shared>>
      tpu.enqueue_indirect_dma source(%arg10 : memref<128xf32, #tpu.memory_space<vmem>>) target(%dma_start3A_725 : memref<262144xf32, #tpu.memory_space<vmem_shared>>) offsets(%arg15 : memref<128xi32, #tpu.memory_space<vmem>>) semaphore(%arg22 : memref<!tpu.dma_semaphore, #tpu.memory_space<semaphore_mem>>) {add = true}
      %dma_start3A_726 = arith.constant 0 : i32
      %dma_start3A_727 = tpu.memref_slice %arg18[%dma_start3A_726] : memref<262144xf32, #tpu.memory_space<vmem_shared>> -> memref<262144xf32, #tpu.memory_space<vmem_shared>>
      tpu.enqueue_indirect_dma source(%arg11 : memref<128xf32, #tpu.memory_space<vmem>>) target(%dma_start3A_727 : memref<262144xf32, #tpu.memory_space<vmem_shared>>) offsets(%arg15 : memref<128xi32, #tpu.memory_space<vmem>>) semaphore(%arg22 : memref<!tpu.dma_semaphore, #tpu.memory_space<semaphore_mem>>) {add = true}
      %dma_start3A_728 = arith.constant 0 : i32
      %dma_start3A_729 = tpu.memref_slice %arg19[%dma_start3A_728] : memref<262144xf32, #tpu.memory_space<vmem_shared>> -> memref<262144xf32, #tpu.memory_space<vmem_shared>>
      tpu.enqueue_indirect_dma source(%arg12 : memref<128xf32, #tpu.memory_space<vmem>>) target(%dma_start3A_729 : memref<262144xf32, #tpu.memory_space<vmem_shared>>) offsets(%arg15 : memref<128xi32, #tpu.memory_space<vmem>>) semaphore(%arg22 : memref<!tpu.dma_semaphore, #tpu.memory_space<semaphore_mem>>) {add = true}
      %dma_start3A_730 = arith.constant 0 : i32
      %dma_start3A_731 = tpu.memref_slice %arg20[%dma_start3A_730] : memref<262144xf32, #tpu.memory_space<vmem_shared>> -> memref<262144xf32, #tpu.memory_space<vmem_shared>>
      tpu.enqueue_indirect_dma source(%arg13 : memref<128xf32, #tpu.memory_space<vmem>>) target(%dma_start3A_731 : memref<262144xf32, #tpu.memory_space<vmem_shared>>) offsets(%arg15 : memref<128xi32, #tpu.memory_space<vmem>>) semaphore(%arg22 : memref<!tpu.dma_semaphore, #tpu.memory_space<semaphore_mem>>) {add = true}
      %dma_start3A_732 = arith.constant 0 : i32
      %dma_start3A_733 = tpu.memref_slice %arg21[%dma_start3A_732] : memref<262144xf32, #tpu.memory_space<vmem_shared>> -> memref<262144xf32, #tpu.memory_space<vmem_shared>>
      tpu.enqueue_indirect_dma source(%arg14 : memref<128xf32, #tpu.memory_space<vmem>>) target(%dma_start3A_733 : memref<262144xf32, #tpu.memory_space<vmem_shared>>) offsets(%arg15 : memref<128xi32, #tpu.memory_space<vmem>>) semaphore(%arg22 : memref<!tpu.dma_semaphore, #tpu.memory_space<semaphore_mem>>) {add = true}
      %dma_wait3A = arith.constant 0 : i32
      %dma_wait3A_734 = tpu.memref_slice %arg17[%dma_wait3A] : memref<262144xf32, #tpu.memory_space<vmem_shared>> -> memref<262144xf32, #tpu.memory_space<vmem_shared>>
      tpu.wait_indirect_dma semaphore(%arg22 : memref<!tpu.dma_semaphore, #tpu.memory_space<semaphore_mem>>) src(%arg10 : memref<128xf32, #tpu.memory_space<vmem>>) dst(%dma_wait3A_734 : memref<262144xf32, #tpu.memory_space<vmem_shared>>)
      %dma_wait3A_735 = arith.constant 0 : i32
      %dma_wait3A_736 = tpu.memref_slice %arg18[%dma_wait3A_735] : memref<262144xf32, #tpu.memory_space<vmem_shared>> -> memref<262144xf32, #tpu.memory_space<vmem_shared>>
      tpu.wait_indirect_dma semaphore(%arg22 : memref<!tpu.dma_semaphore, #tpu.memory_space<semaphore_mem>>) src(%arg11 : memref<128xf32, #tpu.memory_space<vmem>>) dst(%dma_wait3A_736 : memref<262144xf32, #tpu.memory_space<vmem_shared>>)
      %dma_wait3A_737 = arith.constant 0 : i32
      %dma_wait3A_738 = tpu.memref_slice %arg19[%dma_wait3A_737] : memref<262144xf32, #tpu.memory_space<vmem_shared>> -> memref<262144xf32, #tpu.memory_space<vmem_shared>>
      tpu.wait_indirect_dma semaphore(%arg22 : memref<!tpu.dma_semaphore, #tpu.memory_space<semaphore_mem>>) src(%arg12 : memref<128xf32, #tpu.memory_space<vmem>>) dst(%dma_wait3A_738 : memref<262144xf32, #tpu.memory_space<vmem_shared>>)
      %dma_wait3A_739 = arith.constant 0 : i32
      %dma_wait3A_740 = tpu.memref_slice %arg20[%dma_wait3A_739] : memref<262144xf32, #tpu.memory_space<vmem_shared>> -> memref<262144xf32, #tpu.memory_space<vmem_shared>>
      tpu.wait_indirect_dma semaphore(%arg22 : memref<!tpu.dma_semaphore, #tpu.memory_space<semaphore_mem>>) src(%arg13 : memref<128xf32, #tpu.memory_space<vmem>>) dst(%dma_wait3A_740 : memref<262144xf32, #tpu.memory_space<vmem_shared>>)
      %dma_wait3A_741 = arith.constant 0 : i32
      %dma_wait3A_742 = tpu.memref_slice %arg21[%dma_wait3A_741] : memref<262144xf32, #tpu.memory_space<vmem_shared>> -> memref<262144xf32, #tpu.memory_space<vmem_shared>>
      tpu.wait_indirect_dma semaphore(%arg22 : memref<!tpu.dma_semaphore, #tpu.memory_space<semaphore_mem>>) src(%arg14 : memref<128xf32, #tpu.memory_space<vmem>>) dst(%dma_wait3A_742 : memref<262144xf32, #tpu.memory_space<vmem_shared>>)
    }
    %scan3A_17 = arith.constant 49 : i32
    %barrier3A_18 = arith.constant 0 : index
    tpu.barrier barrier_id(%barrier3A_18)
    %mul3A_19 = arith.constant 16384 : i32
    %mul3A_20 = arith.muli %arg1, %mul3A_19 : i32
    %mul3A_21 = arith.constant 8 : i32
    %mul3A_22 = arith.muli %arg0, %mul3A_21 : i32
    %add3A_23 = arith.constant 0 : i32
    %add3A_24 = arith.addi %mul3A_22, %add3A_23 : i32
    %mul3A_25 = arith.constant 262144 : i32
    %mul3A_26 = arith.muli %add3A_24, %mul3A_25 : i32
    %mul3A_27 = arith.constant 16384 : i32
    %mul3A_28 = arith.muli %arg1, %mul3A_27 : i32
    %add3A_29 = arith.addi %mul3A_26, %mul3A_28 : i32
    "tpu.region"() ({
      %run_scoped3A = tpu.sem_alloc : memref<!tpu.dma_semaphore, #tpu.memory_space<semaphore_mem>>
      %dma_start3A = tpu.memref_slice %arg6[%add3A_29] : memref<4194304xf32, #tpu.memory_space<hbm>> -> memref<16384xf32, #tpu.memory_space<hbm>>
      %dma_start3A_101 = tpu.memref_slice %arg17[%mul3A_20] : memref<262144xf32, #tpu.memory_space<vmem_shared>> -> memref<16384xf32, #tpu.memory_space<vmem_shared>>
      tpu.enqueue_dma source(%dma_start3A_101 : memref<16384xf32, #tpu.memory_space<vmem_shared>>) target(%dma_start3A : memref<16384xf32, #tpu.memory_space<hbm>>) target_semaphore(%run_scoped3A : memref<!tpu.dma_semaphore, #tpu.memory_space<semaphore_mem>>)
      %dma_wait3A = tpu.memref_slice %arg6[%add3A_29] : memref<4194304xf32, #tpu.memory_space<hbm>> -> memref<16384xf32, #tpu.memory_space<hbm>>
      %dma_wait3A_102 = tpu.memref_slice %arg17[%mul3A_20] : memref<262144xf32, #tpu.memory_space<vmem_shared>> -> memref<16384xf32, #tpu.memory_space<vmem_shared>>
      tpu.wait_dma2 semaphore(%run_scoped3A : memref<!tpu.dma_semaphore, #tpu.memory_space<semaphore_mem>>) src(%dma_wait3A_102 : memref<16384xf32, #tpu.memory_space<vmem_shared>>) dst(%dma_wait3A : memref<16384xf32, #tpu.memory_space<hbm>>)
      tpu.yield
    }) : () -> ()
    %mul3A_30 = arith.constant 16384 : i32
    %mul3A_31 = arith.muli %arg1, %mul3A_30 : i32
    %mul3A_32 = arith.constant 8 : i32
    %mul3A_33 = arith.muli %arg0, %mul3A_32 : i32
    %add3A_34 = arith.constant 1 : i32
    %add3A_35 = arith.addi %mul3A_33, %add3A_34 : i32
    %mul3A_36 = arith.constant 262144 : i32
    %mul3A_37 = arith.muli %add3A_35, %mul3A_36 : i32
    %mul3A_38 = arith.constant 16384 : i32
    %mul3A_39 = arith.muli %arg1, %mul3A_38 : i32
    %add3A_40 = arith.addi %mul3A_37, %mul3A_39 : i32
    "tpu.region"() ({
      %run_scoped3A = tpu.sem_alloc : memref<!tpu.dma_semaphore, #tpu.memory_space<semaphore_mem>>
      %dma_start3A = tpu.memref_slice %arg6[%add3A_40] : memref<4194304xf32, #tpu.memory_space<hbm>> -> memref<16384xf32, #tpu.memory_space<hbm>>
      %dma_start3A_101 = tpu.memref_slice %arg18[%mul3A_31] : memref<262144xf32, #tpu.memory_space<vmem_shared>> -> memref<16384xf32, #tpu.memory_space<vmem_shared>>
      tpu.enqueue_dma source(%dma_start3A_101 : memref<16384xf32, #tpu.memory_space<vmem_shared>>) target(%dma_start3A : memref<16384xf32, #tpu.memory_space<hbm>>) target_semaphore(%run_scoped3A : memref<!tpu.dma_semaphore, #tpu.memory_space<semaphore_mem>>)
      %dma_wait3A = tpu.memref_slice %arg6[%add3A_40] : memref<4194304xf32, #tpu.memory_space<hbm>> -> memref<16384xf32, #tpu.memory_space<hbm>>
      %dma_wait3A_102 = tpu.memref_slice %arg18[%mul3A_31] : memref<262144xf32, #tpu.memory_space<vmem_shared>> -> memref<16384xf32, #tpu.memory_space<vmem_shared>>
      tpu.wait_dma2 semaphore(%run_scoped3A : memref<!tpu.dma_semaphore, #tpu.memory_space<semaphore_mem>>) src(%dma_wait3A_102 : memref<16384xf32, #tpu.memory_space<vmem_shared>>) dst(%dma_wait3A : memref<16384xf32, #tpu.memory_space<hbm>>)
      tpu.yield
    }) : () -> ()
    %mul3A_41 = arith.constant 16384 : i32
    %mul3A_42 = arith.muli %arg1, %mul3A_41 : i32
    %mul3A_43 = arith.constant 8 : i32
    %mul3A_44 = arith.muli %arg0, %mul3A_43 : i32
    %add3A_45 = arith.constant 2 : i32
    %add3A_46 = arith.addi %mul3A_44, %add3A_45 : i32
    %mul3A_47 = arith.constant 262144 : i32
    %mul3A_48 = arith.muli %add3A_46, %mul3A_47 : i32
    %mul3A_49 = arith.constant 16384 : i32
    %mul3A_50 = arith.muli %arg1, %mul3A_49 : i32
    %add3A_51 = arith.addi %mul3A_48, %mul3A_50 : i32
    "tpu.region"() ({
      %run_scoped3A = tpu.sem_alloc : memref<!tpu.dma_semaphore, #tpu.memory_space<semaphore_mem>>
      %dma_start3A = tpu.memref_slice %arg6[%add3A_51] : memref<4194304xf32, #tpu.memory_space<hbm>> -> memref<16384xf32, #tpu.memory_space<hbm>>
      %dma_start3A_101 = tpu.memref_slice %arg19[%mul3A_42] : memref<262144xf32, #tpu.memory_space<vmem_shared>> -> memref<16384xf32, #tpu.memory_space<vmem_shared>>
      tpu.enqueue_dma source(%dma_start3A_101 : memref<16384xf32, #tpu.memory_space<vmem_shared>>) target(%dma_start3A : memref<16384xf32, #tpu.memory_space<hbm>>) target_semaphore(%run_scoped3A : memref<!tpu.dma_semaphore, #tpu.memory_space<semaphore_mem>>)
      %dma_wait3A = tpu.memref_slice %arg6[%add3A_51] : memref<4194304xf32, #tpu.memory_space<hbm>> -> memref<16384xf32, #tpu.memory_space<hbm>>
      %dma_wait3A_102 = tpu.memref_slice %arg19[%mul3A_42] : memref<262144xf32, #tpu.memory_space<vmem_shared>> -> memref<16384xf32, #tpu.memory_space<vmem_shared>>
      tpu.wait_dma2 semaphore(%run_scoped3A : memref<!tpu.dma_semaphore, #tpu.memory_space<semaphore_mem>>) src(%dma_wait3A_102 : memref<16384xf32, #tpu.memory_space<vmem_shared>>) dst(%dma_wait3A : memref<16384xf32, #tpu.memory_space<hbm>>)
      tpu.yield
    }) : () -> ()
    %mul3A_52 = arith.constant 16384 : i32
    %mul3A_53 = arith.muli %arg1, %mul3A_52 : i32
    %mul3A_54 = arith.constant 8 : i32
    %mul3A_55 = arith.muli %arg0, %mul3A_54 : i32
    %add3A_56 = arith.constant 3 : i32
    %add3A_57 = arith.addi %mul3A_55, %add3A_56 : i32
    %mul3A_58 = arith.constant 262144 : i32
    %mul3A_59 = arith.muli %add3A_57, %mul3A_58 : i32
    %mul3A_60 = arith.constant 16384 : i32
    %mul3A_61 = arith.muli %arg1, %mul3A_60 : i32
    %add3A_62 = arith.addi %mul3A_59, %mul3A_61 : i32
    "tpu.region"() ({
      %run_scoped3A = tpu.sem_alloc : memref<!tpu.dma_semaphore, #tpu.memory_space<semaphore_mem>>
      %dma_start3A = tpu.memref_slice %arg6[%add3A_62] : memref<4194304xf32, #tpu.memory_space<hbm>> -> memref<16384xf32, #tpu.memory_space<hbm>>
      %dma_start3A_101 = tpu.memref_slice %arg20[%mul3A_53] : memref<262144xf32, #tpu.memory_space<vmem_shared>> -> memref<16384xf32, #tpu.memory_space<vmem_shared>>
      tpu.enqueue_dma source(%dma_start3A_101 : memref<16384xf32, #tpu.memory_space<vmem_shared>>) target(%dma_start3A : memref<16384xf32, #tpu.memory_space<hbm>>) target_semaphore(%run_scoped3A : memref<!tpu.dma_semaphore, #tpu.memory_space<semaphore_mem>>)
      %dma_wait3A = tpu.memref_slice %arg6[%add3A_62] : memref<4194304xf32, #tpu.memory_space<hbm>> -> memref<16384xf32, #tpu.memory_space<hbm>>
      %dma_wait3A_102 = tpu.memref_slice %arg20[%mul3A_53] : memref<262144xf32, #tpu.memory_space<vmem_shared>> -> memref<16384xf32, #tpu.memory_space<vmem_shared>>
      tpu.wait_dma2 semaphore(%run_scoped3A : memref<!tpu.dma_semaphore, #tpu.memory_space<semaphore_mem>>) src(%dma_wait3A_102 : memref<16384xf32, #tpu.memory_space<vmem_shared>>) dst(%dma_wait3A : memref<16384xf32, #tpu.memory_space<hbm>>)
      tpu.yield
    }) : () -> ()
    %mul3A_63 = arith.constant 16384 : i32
    %mul3A_64 = arith.muli %arg1, %mul3A_63 : i32
    %mul3A_65 = arith.constant 8 : i32
    %mul3A_66 = arith.muli %arg0, %mul3A_65 : i32
    %add3A_67 = arith.constant 4 : i32
    %add3A_68 = arith.addi %mul3A_66, %add3A_67 : i32
    %mul3A_69 = arith.constant 262144 : i32
    %mul3A_70 = arith.muli %add3A_68, %mul3A_69 : i32
    %mul3A_71 = arith.constant 16384 : i32
    %mul3A_72 = arith.muli %arg1, %mul3A_71 : i32
    %add3A_73 = arith.addi %mul3A_70, %mul3A_72 : i32
    "tpu.region"() ({
      %run_scoped3A = tpu.sem_alloc : memref<!tpu.dma_semaphore, #tpu.memory_space<semaphore_mem>>
      %dma_start3A = tpu.memref_slice %arg6[%add3A_73] : memref<4194304xf32, #tpu.memory_space<hbm>> -> memref<16384xf32, #tpu.memory_space<hbm>>
      %dma_start3A_101 = tpu.memref_slice %arg21[%mul3A_64] : memref<262144xf32, #tpu.memory_space<vmem_shared>> -> memref<16384xf32, #tpu.memory_space<vmem_shared>>
      tpu.enqueue_dma source(%dma_start3A_101 : memref<16384xf32, #tpu.memory_space<vmem_shared>>) target(%dma_start3A : memref<16384xf32, #tpu.memory_space<hbm>>) target_semaphore(%run_scoped3A : memref<!tpu.dma_semaphore, #tpu.memory_space<semaphore_mem>>)
      %dma_wait3A = tpu.memref_slice %arg6[%add3A_73] : memref<4194304xf32, #tpu.memory_space<hbm>> -> memref<16384xf32, #tpu.memory_space<hbm>>
      %dma_wait3A_102 = tpu.memref_slice %arg21[%mul3A_64] : memref<262144xf32, #tpu.memory_space<vmem_shared>> -> memref<16384xf32, #tpu.memory_space<vmem_shared>>
      tpu.wait_dma2 semaphore(%run_scoped3A : memref<!tpu.dma_semaphore, #tpu.memory_space<semaphore_mem>>) src(%dma_wait3A_102 : memref<16384xf32, #tpu.memory_space<vmem_shared>>) dst(%dma_wait3A : memref<16384xf32, #tpu.memory_space<hbm>>)
      tpu.yield
    }) : () -> ()
    %mul3A_74 = arith.constant 8 : i32
    %mul3A_75 = arith.muli %arg0, %mul3A_74 : i32
    %add3A_76 = arith.constant 5 : i32
    %add3A_77 = arith.addi %mul3A_75, %add3A_76 : i32
    %mul3A_78 = arith.constant 262144 : i32
    %mul3A_79 = arith.muli %add3A_77, %mul3A_78 : i32
    %mul3A_80 = arith.constant 16384 : i32
    %mul3A_81 = arith.muli %arg1, %mul3A_80 : i32
    %add3A_82 = arith.addi %mul3A_79, %mul3A_81 : i32
    "tpu.region"() ({
      %run_scoped3A = tpu.sem_alloc : memref<!tpu.dma_semaphore, #tpu.memory_space<semaphore_mem>>
      %dma_start3A = tpu.memref_slice %arg6[%add3A_82] : memref<4194304xf32, #tpu.memory_space<hbm>> -> memref<16384xf32, #tpu.memory_space<hbm>>
      %dma_start3A_101 = tpu.memref_slice %arg6[%add3A_82] : memref<4194304xf32, #tpu.memory_space<hbm>> -> memref<16384xf32, #tpu.memory_space<hbm>>
      tpu.enqueue_dma source(%arg16 : memref<16384xf32, #tpu.memory_space<vmem>>) target(%dma_start3A_101 : memref<16384xf32, #tpu.memory_space<hbm>>) target_semaphore(%run_scoped3A : memref<!tpu.dma_semaphore, #tpu.memory_space<semaphore_mem>>)
      %dma_wait3A = tpu.memref_slice %arg6[%add3A_82] : memref<4194304xf32, #tpu.memory_space<hbm>> -> memref<16384xf32, #tpu.memory_space<hbm>>
      %dma_wait3A_102 = tpu.memref_slice %arg6[%add3A_82] : memref<4194304xf32, #tpu.memory_space<hbm>> -> memref<16384xf32, #tpu.memory_space<hbm>>
      tpu.wait_dma2 semaphore(%run_scoped3A : memref<!tpu.dma_semaphore, #tpu.memory_space<semaphore_mem>>) src(%arg16 : memref<16384xf32, #tpu.memory_space<vmem>>) dst(%dma_wait3A_102 : memref<16384xf32, #tpu.memory_space<hbm>>)
      tpu.yield
    }) : () -> ()
    %mul3A_83 = arith.constant 8 : i32
    %mul3A_84 = arith.muli %arg0, %mul3A_83 : i32
    %add3A_85 = arith.constant 6 : i32
    %add3A_86 = arith.addi %mul3A_84, %add3A_85 : i32
    %mul3A_87 = arith.constant 262144 : i32
    %mul3A_88 = arith.muli %add3A_86, %mul3A_87 : i32
    %mul3A_89 = arith.constant 16384 : i32
    %mul3A_90 = arith.muli %arg1, %mul3A_89 : i32
    %add3A_91 = arith.addi %mul3A_88, %mul3A_90 : i32
    "tpu.region"() ({
      %run_scoped3A = tpu.sem_alloc : memref<!tpu.dma_semaphore, #tpu.memory_space<semaphore_mem>>
      %dma_start3A = tpu.memref_slice %arg6[%add3A_91] : memref<4194304xf32, #tpu.memory_space<hbm>> -> memref<16384xf32, #tpu.memory_space<hbm>>
      %dma_start3A_101 = tpu.memref_slice %arg6[%add3A_91] : memref<4194304xf32, #tpu.memory_space<hbm>> -> memref<16384xf32, #tpu.memory_space<hbm>>
      tpu.enqueue_dma source(%arg16 : memref<16384xf32, #tpu.memory_space<vmem>>) target(%dma_start3A_101 : memref<16384xf32, #tpu.memory_space<hbm>>) target_semaphore(%run_scoped3A : memref<!tpu.dma_semaphore, #tpu.memory_space<semaphore_mem>>)
      %dma_wait3A = tpu.memref_slice %arg6[%add3A_91] : memref<4194304xf32, #tpu.memory_space<hbm>> -> memref<16384xf32, #tpu.memory_space<hbm>>
      %dma_wait3A_102 = tpu.memref_slice %arg6[%add3A_91] : memref<4194304xf32, #tpu.memory_space<hbm>> -> memref<16384xf32, #tpu.memory_space<hbm>>
      tpu.wait_dma2 semaphore(%run_scoped3A : memref<!tpu.dma_semaphore, #tpu.memory_space<semaphore_mem>>) src(%arg16 : memref<16384xf32, #tpu.memory_space<vmem>>) dst(%dma_wait3A_102 : memref<16384xf32, #tpu.memory_space<hbm>>)
      tpu.yield
    }) : () -> ()
    %mul3A_92 = arith.constant 8 : i32
    %mul3A_93 = arith.muli %arg0, %mul3A_92 : i32
    %add3A_94 = arith.constant 7 : i32
    %add3A_95 = arith.addi %mul3A_93, %add3A_94 : i32
    %mul3A_96 = arith.constant 262144 : i32
    %mul3A_97 = arith.muli %add3A_95, %mul3A_96 : i32
    %mul3A_98 = arith.constant 16384 : i32
    %mul3A_99 = arith.muli %arg1, %mul3A_98 : i32
    %add3A_100 = arith.addi %mul3A_97, %mul3A_99 : i32
    "tpu.region"() ({
      %run_scoped3A = tpu.sem_alloc : memref<!tpu.dma_semaphore, #tpu.memory_space<semaphore_mem>>
      %dma_start3A = tpu.memref_slice %arg6[%add3A_100] : memref<4194304xf32, #tpu.memory_space<hbm>> -> memref<16384xf32, #tpu.memory_space<hbm>>
      %dma_start3A_101 = tpu.memref_slice %arg6[%add3A_100] : memref<4194304xf32, #tpu.memory_space<hbm>> -> memref<16384xf32, #tpu.memory_space<hbm>>
      tpu.enqueue_dma source(%arg16 : memref<16384xf32, #tpu.memory_space<vmem>>) target(%dma_start3A_101 : memref<16384xf32, #tpu.memory_space<hbm>>) target_semaphore(%run_scoped3A : memref<!tpu.dma_semaphore, #tpu.memory_space<semaphore_mem>>)
      %dma_wait3A = tpu.memref_slice %arg6[%add3A_100] : memref<4194304xf32, #tpu.memory_space<hbm>> -> memref<16384xf32, #tpu.memory_space<hbm>>
      %dma_wait3A_102 = tpu.memref_slice %arg6[%add3A_100] : memref<4194304xf32, #tpu.memory_space<hbm>> -> memref<16384xf32, #tpu.memory_space<hbm>>
      tpu.wait_dma2 semaphore(%run_scoped3A : memref<!tpu.dma_semaphore, #tpu.memory_space<semaphore_mem>>) src(%arg16 : memref<16384xf32, #tpu.memory_space<vmem>>) dst(%dma_wait3A_102 : memref<16384xf32, #tpu.memory_space<hbm>>)
      tpu.yield
    }) : () -> ()
    return
  }
}

module attributes {stable_mosaic.version = 14 : i64} {
  func.func @_tc_body(%arg0: i32, %arg1: memref<3x8x4096xf32, #tpu.memory_space<vmem>>, %arg2: memref<2x8x4096xf32, #tpu.memory_space<vmem>>, %arg3: memref<48x8xf32, #tpu.memory_space<vmem>>, %arg4: memref<8x3xf32, #tpu.memory_space<vmem>>, %arg5: memref<4096x48xf32, #tpu.memory_space<vmem>>) attributes {dimension_semantics = [#tpu.dimension_semantics<arbitrary>], iteration_bounds = array<i64: 64>, scalar_prefetch = 0 : i64, scratch_operands = 0 : i64, tpu.core_type = #tpu.core_type<tc>, window_params = [{transform_indices = @transform_0, window_bounds = array<i64: 3, 8, 4096>}, {transform_indices = @transform_1, window_bounds = array<i64: 2, 8, 4096>}, {pipeline_mode = #tpu.pipeline_mode<synchronous>, transform_indices = @transform_2, window_bounds = array<i64: 48, 8>}, {pipeline_mode = #tpu.pipeline_mode<synchronous>, transform_indices = @transform_3, window_bounds = array<i64: 8, 3>}, {transform_indices = @transform_4, window_bounds = array<i64: 4096, 48>}]} {
    %mul3A = arith.constant 4096 : i32
    %mul3A_0 = arith.muli %arg0, %mul3A : i32
    %iota3A = tpu.iota {dimensions = array<i32: 1>} : vector<1x4096xi32>
    %add3A = vector.broadcast %mul3A_0 : i32 to vector<1x4096xi32>
    %add3A_1 = arith.addi %add3A, %iota3A : vector<1x4096xi32>
    %jit3A = arith.constant 4096 : i32
    %div3A = vector.broadcast %jit3A : i32 to vector<1x4096xi32>
    %div3A_2 = arith.divsi %add3A_1, %div3A : vector<1x4096xi32>
    %sign3A = arith.constant 0 : i32
    %sign3A_3 = vector.broadcast %sign3A : i32 to vector<1x4096xi32>
    %sign3A_4 = arith.cmpi sgt, %add3A_1, %sign3A_3 : vector<1x4096xi32>
    %sign3A_5 = arith.extui %sign3A_4 : vector<1x4096xi1> to vector<1x4096xi32>
    %sign3A_6 = arith.constant 0 : i32
    %sign3A_7 = vector.broadcast %sign3A_6 : i32 to vector<1x4096xi32>
    %sign3A_8 = arith.cmpi slt, %add3A_1, %sign3A_7 : vector<1x4096xi32>
    %sign3A_9 = arith.extui %sign3A_8 : vector<1x4096xi1> to vector<1x4096xi32>
    %sign3A_10 = arith.subi %sign3A_5, %sign3A_9 : vector<1x4096xi32>
    %sign3A_11 = arith.constant 0 : i32
    %sign3A_12 = arith.cmpi sgt, %jit3A, %sign3A_11 : i32
    %sign3A_13 = arith.extui %sign3A_12 : i1 to i32
    %sign3A_14 = arith.constant 0 : i32
    %sign3A_15 = arith.cmpi slt, %jit3A, %sign3A_14 : i32
    %sign3A_16 = arith.extui %sign3A_15 : i1 to i32
    %sign3A_17 = arith.subi %sign3A_13, %sign3A_16 : i32
    %ne3A = vector.broadcast %sign3A_17 : i32 to vector<1x4096xi32>
    %ne3A_18 = arith.cmpi ne, %sign3A_10, %ne3A : vector<1x4096xi32>
    %rem3A = vector.broadcast %jit3A : i32 to vector<1x4096xi32>
    %rem3A_19 = arith.remsi %add3A_1, %rem3A : vector<1x4096xi32>
    %ne3A_20 = arith.constant 0 : i32
    %ne3A_21 = vector.broadcast %ne3A_20 : i32 to vector<1x4096xi32>
    %ne3A_22 = arith.cmpi ne, %rem3A_19, %ne3A_21 : vector<1x4096xi32>
    %and3A = arith.andi %ne3A_18, %ne3A_22 : vector<1x4096xi1>
    %sub3A = arith.constant 1 : i32
    %sub3A_23 = vector.broadcast %sub3A : i32 to vector<1x4096xi32>
    %sub3A_24 = arith.subi %div3A_2, %sub3A_23 : vector<1x4096xi32>
    %select_n3A = arith.select %and3A, %sub3A_24, %div3A_2 : vector<1x4096xi1>, vector<1x4096xi32>
    %convert_element_type3A = arith.sitofp %select_n3A : vector<1x4096xi32> to vector<1x4096xf32>
    %jit3A_25 = arith.constant 64 : i32
    %div3A_26 = vector.broadcast %jit3A_25 : i32 to vector<1x4096xi32>
    %div3A_27 = arith.divsi %add3A_1, %div3A_26 : vector<1x4096xi32>
    %sign3A_28 = arith.constant 0 : i32
    %sign3A_29 = vector.broadcast %sign3A_28 : i32 to vector<1x4096xi32>
    %sign3A_30 = arith.cmpi sgt, %add3A_1, %sign3A_29 : vector<1x4096xi32>
    %sign3A_31 = arith.extui %sign3A_30 : vector<1x4096xi1> to vector<1x4096xi32>
    %sign3A_32 = arith.constant 0 : i32
    %sign3A_33 = vector.broadcast %sign3A_32 : i32 to vector<1x4096xi32>
    %sign3A_34 = arith.cmpi slt, %add3A_1, %sign3A_33 : vector<1x4096xi32>
    %sign3A_35 = arith.extui %sign3A_34 : vector<1x4096xi1> to vector<1x4096xi32>
    %sign3A_36 = arith.subi %sign3A_31, %sign3A_35 : vector<1x4096xi32>
    %sign3A_37 = arith.constant 0 : i32
    %sign3A_38 = arith.cmpi sgt, %jit3A_25, %sign3A_37 : i32
    %sign3A_39 = arith.extui %sign3A_38 : i1 to i32
    %sign3A_40 = arith.constant 0 : i32
    %sign3A_41 = arith.cmpi slt, %jit3A_25, %sign3A_40 : i32
    %sign3A_42 = arith.extui %sign3A_41 : i1 to i32
    %sign3A_43 = arith.subi %sign3A_39, %sign3A_42 : i32
    %ne3A_44 = vector.broadcast %sign3A_43 : i32 to vector<1x4096xi32>
    %ne3A_45 = arith.cmpi ne, %sign3A_36, %ne3A_44 : vector<1x4096xi32>
    %rem3A_46 = vector.broadcast %jit3A_25 : i32 to vector<1x4096xi32>
    %rem3A_47 = arith.remsi %add3A_1, %rem3A_46 : vector<1x4096xi32>
    %ne3A_48 = arith.constant 0 : i32
    %ne3A_49 = vector.broadcast %ne3A_48 : i32 to vector<1x4096xi32>
    %ne3A_50 = arith.cmpi ne, %rem3A_47, %ne3A_49 : vector<1x4096xi32>
    %and3A_51 = arith.andi %ne3A_45, %ne3A_50 : vector<1x4096xi1>
    %sub3A_52 = arith.constant 1 : i32
    %sub3A_53 = vector.broadcast %sub3A_52 : i32 to vector<1x4096xi32>
    %sub3A_54 = arith.subi %div3A_27, %sub3A_53 : vector<1x4096xi32>
    %select_n3A_55 = arith.select %and3A_51, %sub3A_54, %div3A_27 : vector<1x4096xi1>, vector<1x4096xi32>
    %jit3A_56 = arith.constant 64 : i32
    %eq3A = arith.constant 0 : i32
    %eq3A_57 = arith.cmpi eq, %jit3A_56, %eq3A : i32
    %jit3A_58 = arith.constant 1 : i32
    %select_n3A_59 = arith.select %eq3A_57, %jit3A_58, %jit3A_56 : i32
    %rem3A_60 = vector.broadcast %select_n3A_59 : i32 to vector<1x4096xi32>
    %rem3A_61 = arith.remsi %select_n3A_55, %rem3A_60 : vector<1x4096xi32>
    %ne3A_62 = arith.constant 0 : i32
    %ne3A_63 = vector.broadcast %ne3A_62 : i32 to vector<1x4096xi32>
    %ne3A_64 = arith.cmpi ne, %rem3A_61, %ne3A_63 : vector<1x4096xi32>
    %lt3A = arith.constant 0 : i32
    %lt3A_65 = vector.broadcast %lt3A : i32 to vector<1x4096xi32>
    %lt3A_66 = arith.cmpi slt, %rem3A_61, %lt3A_65 : vector<1x4096xi32>
    %lt3A_67 = arith.constant 0 : i32
    %lt3A_68 = arith.cmpi slt, %select_n3A_59, %lt3A_67 : i32
    %ne3A_69 = vector.broadcast %lt3A_68 : i1 to vector<1x4096xi1>
    %ne3A_70 = vector.broadcast %ne3A_69 : vector<1x4096xi1> to vector<1x4096xi1>
    %ne3A_71 = arith.xori %lt3A_66, %ne3A_70 : vector<1x4096xi1>
    %and3A_72 = arith.andi %ne3A_71, %ne3A_64 : vector<1x4096xi1>
    %add3A_73 = vector.broadcast %select_n3A_59 : i32 to vector<1x4096xi32>
    %add3A_74 = arith.addi %rem3A_61, %add3A_73 : vector<1x4096xi32>
    %select_n3A_75 = arith.select %and3A_72, %add3A_74, %rem3A_61 : vector<1x4096xi1>, vector<1x4096xi32>
    %convert_element_type3A_76 = arith.sitofp %select_n3A_75 : vector<1x4096xi32> to vector<1x4096xf32>
    %jit3A_77 = arith.constant 64 : i32
    %eq3A_78 = arith.constant 0 : i32
    %eq3A_79 = arith.cmpi eq, %jit3A_77, %eq3A_78 : i32
    %jit3A_80 = arith.constant 1 : i32
    %select_n3A_81 = arith.select %eq3A_79, %jit3A_80, %jit3A_77 : i32
    %rem3A_82 = vector.broadcast %select_n3A_81 : i32 to vector<1x4096xi32>
    %rem3A_83 = arith.remsi %add3A_1, %rem3A_82 : vector<1x4096xi32>
    %ne3A_84 = arith.constant 0 : i32
    %ne3A_85 = vector.broadcast %ne3A_84 : i32 to vector<1x4096xi32>
    %ne3A_86 = arith.cmpi ne, %rem3A_83, %ne3A_85 : vector<1x4096xi32>
    %lt3A_87 = arith.constant 0 : i32
    %lt3A_88 = vector.broadcast %lt3A_87 : i32 to vector<1x4096xi32>
    %lt3A_89 = arith.cmpi slt, %rem3A_83, %lt3A_88 : vector<1x4096xi32>
    %lt3A_90 = arith.constant 0 : i32
    %lt3A_91 = arith.cmpi slt, %select_n3A_81, %lt3A_90 : i32
    %ne3A_92 = vector.broadcast %lt3A_91 : i1 to vector<1x4096xi1>
    %ne3A_93 = vector.broadcast %ne3A_92 : vector<1x4096xi1> to vector<1x4096xi1>
    %ne3A_94 = arith.xori %lt3A_89, %ne3A_93 : vector<1x4096xi1>
    %and3A_95 = arith.andi %ne3A_94, %ne3A_86 : vector<1x4096xi1>
    %add3A_96 = vector.broadcast %select_n3A_81 : i32 to vector<1x4096xi32>
    %add3A_97 = arith.addi %rem3A_83, %add3A_96 : vector<1x4096xi32>
    %select_n3A_98 = arith.select %and3A_95, %add3A_97, %rem3A_83 : vector<1x4096xi1>, vector<1x4096xi32>
    %convert_element_type3A_99 = arith.sitofp %select_n3A_98 : vector<1x4096xi32> to vector<1x4096xf32>
    %get3A = arith.constant 0 : index
    %get3A_100 = arith.constant 0 : index
    %get3A_101 = arith.constant 0 : index
    %get3A_102 = vector.load %arg2[%get3A, %get3A_100, %get3A_101] : memref<2x8x4096xf32, #tpu.memory_space<vmem>>, vector<1x8x4096xf32>
    %get3A_103 = vector.shape_cast %get3A_102 : vector<1x8x4096xf32> to vector<8x4096xf32>
    %get3A_104 = arith.constant 1 : index
    %get3A_105 = arith.constant 0 : index
    %get3A_106 = arith.constant 0 : index
    %get3A_107 = vector.load %arg2[%get3A_104, %get3A_105, %get3A_106] : memref<2x8x4096xf32, #tpu.memory_space<vmem>>, vector<1x8x4096xf32>
    %get3A_108 = vector.shape_cast %get3A_107 : vector<1x8x4096xf32> to vector<8x4096xf32>
    %add3A_109 = arith.addf %get3A_103, %get3A_108 : vector<8x4096xf32>
    %slice3A = vector.extract_strided_slice %add3A_109 {offsets = [0, 0], sizes = [1, 4096], strides = [1, 1]} : vector<8x4096xf32> to vector<1x4096xf32>
    %slice3A_110 = vector.extract_strided_slice %add3A_109 {offsets = [1, 0], sizes = [1, 4096], strides = [1, 1]} : vector<8x4096xf32> to vector<1x4096xf32>
    %slice3A_111 = vector.extract_strided_slice %add3A_109 {offsets = [2, 0], sizes = [1, 4096], strides = [1, 1]} : vector<8x4096xf32> to vector<1x4096xf32>
    %slice3A_112 = vector.extract_strided_slice %add3A_109 {offsets = [3, 0], sizes = [1, 4096], strides = [1, 1]} : vector<8x4096xf32> to vector<1x4096xf32>
    %slice3A_113 = vector.extract_strided_slice %add3A_109 {offsets = [4, 0], sizes = [1, 4096], strides = [1, 1]} : vector<8x4096xf32> to vector<1x4096xf32>
    %get3A_114 = arith.constant 0 : index
    %get3A_115 = arith.constant 0 : index
    %get3A_116 = vector.load %arg3[%get3A_114, %get3A_115] : memref<48x8xf32, #tpu.memory_space<vmem>>, vector<48x8xf32>
    %convert_element_type3A_117 = arith.truncf %get3A_116 : vector<48x8xf32> to vector<48x8xbf16>
    %get3A_118 = arith.constant 0 : index
    %get3A_119 = arith.constant 0 : index
    %get3A_120 = vector.load %arg4[%get3A_118, %get3A_119] : memref<8x3xf32, #tpu.memory_space<vmem>>, vector<8x1xf32>
    %add3A_121 = vector.broadcast %get3A_120 : vector<8x1xf32> to vector<8x4096xf32>
    %add3A_122 = vector.broadcast %convert_element_type3A : vector<1x4096xf32> to vector<8x4096xf32>
    %add3A_123 = arith.addf %add3A_121, %add3A_122 : vector<8x4096xf32>
    %get3A_124 = arith.constant 0 : index
    %get3A_125 = arith.constant 0 : index
    %get3A_126 = arith.constant 0 : index
    %get3A_127 = vector.load %arg1[%get3A_124, %get3A_125, %get3A_126] : memref<3x8x4096xf32, #tpu.memory_space<vmem>>, vector<1x8x4096xf32>
    %get3A_128 = vector.shape_cast %get3A_127 : vector<1x8x4096xf32> to vector<8x4096xf32>
    %add3A_129 = arith.addf %add3A_123, %get3A_128 : vector<8x4096xf32>
    %convert_element_type3A_130 = arith.truncf %add3A_129 : vector<8x4096xf32> to vector<8x4096xbf16>
    %dot_general3A = arith.constant dense<0.000000e+00> : vector<48x4096xf32>
    %dot_general3A_131 = tpu.matmul %convert_element_type3A_117, %convert_element_type3A_130, %dot_general3A {dimension_numbers = #tpu.dot_dimension_numbers<[1], [0], [0], [1], [0, 0, 1, 1], [], []>, transpose_lhs_hint = false} : vector<48x8xbf16>, vector<8x4096xbf16>, vector<48x4096xf32> -> vector<48x4096xf32>
    %get3A_132 = arith.constant 0 : index
    %get3A_133 = arith.constant 1 : index
    %get3A_134 = vector.load %arg4[%get3A_132, %get3A_133] : memref<8x3xf32, #tpu.memory_space<vmem>>, vector<8x1xf32>
    %add3A_135 = vector.broadcast %get3A_134 : vector<8x1xf32> to vector<8x4096xf32>
    %add3A_136 = vector.broadcast %convert_element_type3A_76 : vector<1x4096xf32> to vector<8x4096xf32>
    %add3A_137 = arith.addf %add3A_135, %add3A_136 : vector<8x4096xf32>
    %get3A_138 = arith.constant 1 : index
    %get3A_139 = arith.constant 0 : index
    %get3A_140 = arith.constant 0 : index
    %get3A_141 = vector.load %arg1[%get3A_138, %get3A_139, %get3A_140] : memref<3x8x4096xf32, #tpu.memory_space<vmem>>, vector<1x8x4096xf32>
    %get3A_142 = vector.shape_cast %get3A_141 : vector<1x8x4096xf32> to vector<8x4096xf32>
    %add3A_143 = arith.addf %add3A_137, %get3A_142 : vector<8x4096xf32>
    %convert_element_type3A_144 = arith.truncf %add3A_143 : vector<8x4096xf32> to vector<8x4096xbf16>
    %dot_general3A_145 = arith.constant dense<0.000000e+00> : vector<48x4096xf32>
    %dot_general3A_146 = tpu.matmul %convert_element_type3A_117, %convert_element_type3A_144, %dot_general3A_145 {dimension_numbers = #tpu.dot_dimension_numbers<[1], [0], [0], [1], [0, 0, 1, 1], [], []>, transpose_lhs_hint = false} : vector<48x8xbf16>, vector<8x4096xbf16>, vector<48x4096xf32> -> vector<48x4096xf32>
    %get3A_147 = arith.constant 0 : index
    %get3A_148 = arith.constant 2 : index
    %get3A_149 = vector.load %arg4[%get3A_147, %get3A_148] : memref<8x3xf32, #tpu.memory_space<vmem>>, vector<8x1xf32>
    %add3A_150 = vector.broadcast %get3A_149 : vector<8x1xf32> to vector<8x4096xf32>
    %add3A_151 = vector.broadcast %convert_element_type3A_99 : vector<1x4096xf32> to vector<8x4096xf32>
    %add3A_152 = arith.addf %add3A_150, %add3A_151 : vector<8x4096xf32>
    %get3A_153 = arith.constant 2 : index
    %get3A_154 = arith.constant 0 : index
    %get3A_155 = arith.constant 0 : index
    %get3A_156 = vector.load %arg1[%get3A_153, %get3A_154, %get3A_155] : memref<3x8x4096xf32, #tpu.memory_space<vmem>>, vector<1x8x4096xf32>
    %get3A_157 = vector.shape_cast %get3A_156 : vector<1x8x4096xf32> to vector<8x4096xf32>
    %add3A_158 = arith.addf %add3A_152, %get3A_157 : vector<8x4096xf32>
    %convert_element_type3A_159 = arith.truncf %add3A_158 : vector<8x4096xf32> to vector<8x4096xbf16>
    %dot_general3A_160 = arith.constant dense<0.000000e+00> : vector<48x4096xf32>
    %dot_general3A_161 = tpu.matmul %convert_element_type3A_117, %convert_element_type3A_159, %dot_general3A_160 {dimension_numbers = #tpu.dot_dimension_numbers<[1], [0], [0], [1], [0, 0, 1, 1], [], []>, transpose_lhs_hint = false} : vector<48x8xbf16>, vector<8x4096xbf16>, vector<48x4096xf32> -> vector<48x4096xf32>
    %sub3A_162 = vector.broadcast %convert_element_type3A : vector<1x4096xf32> to vector<48x4096xf32>
    %sub3A_163 = arith.subf %dot_general3A_131, %sub3A_162 : vector<48x4096xf32>
    %sub3A_164 = vector.broadcast %convert_element_type3A_76 : vector<1x4096xf32> to vector<48x4096xf32>
    %sub3A_165 = arith.subf %dot_general3A_146, %sub3A_164 : vector<48x4096xf32>
    %sub3A_166 = vector.broadcast %convert_element_type3A_99 : vector<1x4096xf32> to vector<48x4096xf32>
    %sub3A_167 = arith.subf %dot_general3A_161, %sub3A_166 : vector<48x4096xf32>
    %mul3A_168 = arith.mulf %sub3A_163, %sub3A_163 : vector<48x4096xf32>
    %mul3A_169 = arith.mulf %sub3A_165, %sub3A_165 : vector<48x4096xf32>
    %add3A_170 = arith.addf %mul3A_168, %mul3A_169 : vector<48x4096xf32>
    %mul3A_171 = arith.mulf %sub3A_167, %sub3A_167 : vector<48x4096xf32>
    %add3A_172 = arith.addf %add3A_170, %mul3A_171 : vector<48x4096xf32>
    %mul3A_173 = vector.broadcast %slice3A : vector<1x4096xf32> to vector<48x4096xf32>
    %mul3A_174 = arith.mulf %mul3A_173, %add3A_172 : vector<48x4096xf32>
    %add3A_175 = vector.broadcast %slice3A_113 : vector<1x4096xf32> to vector<48x4096xf32>
    %add3A_176 = arith.addf %add3A_175, %mul3A_174 : vector<48x4096xf32>
    %mul3A_177 = vector.broadcast %slice3A_110 : vector<1x4096xf32> to vector<48x4096xf32>
    %mul3A_178 = arith.mulf %mul3A_177, %sub3A_163 : vector<48x4096xf32>
    %mul3A_179 = vector.broadcast %slice3A_111 : vector<1x4096xf32> to vector<48x4096xf32>
    %mul3A_180 = arith.mulf %mul3A_179, %sub3A_165 : vector<48x4096xf32>
    %add3A_181 = arith.addf %mul3A_178, %mul3A_180 : vector<48x4096xf32>
    %mul3A_182 = vector.broadcast %slice3A_112 : vector<1x4096xf32> to vector<48x4096xf32>
    %mul3A_183 = arith.mulf %mul3A_182, %sub3A_167 : vector<48x4096xf32>
    %add3A_184 = arith.addf %add3A_181, %mul3A_183 : vector<48x4096xf32>
    %mul3A_185 = arith.constant 2.000000e+00 : f32
    %mul3A_186 = vector.broadcast %mul3A_185 : f32 to vector<48x4096xf32>
    %mul3A_187 = arith.mulf %mul3A_186, %add3A_184 : vector<48x4096xf32>
    %sub3A_188 = arith.subf %add3A_176, %mul3A_187 : vector<48x4096xf32>
    %transpose3A = tpu.transpose %sub3A_188, [1, 0] : vector<48x4096xf32> -> vector<4096x48xf32>
    %swap3A = arith.constant 0 : index
    %swap3A_189 = arith.constant 0 : index
    %swap3A_190 = vector.load %arg5[%swap3A, %swap3A_189] : memref<4096x48xf32, #tpu.memory_space<vmem>>, vector<4096x48xf32>
    tpu.vector_store %arg5[%swap3A, %swap3A_189], %transpose3A {strides = array<i32>} : memref<4096x48xf32, #tpu.memory_space<vmem>>, vector<4096x48xf32>,
    return
  }
  func.func @transform_0(%arg0: i32) -> (i32, i32, i32) {
    %c0_i32 = arith.constant 0 : i32
    %c0_i32_0 = arith.constant 0 : i32
    %c0_i32_1 = arith.constant 0 : i32
    return %c0_i32, %c0_i32_0, %arg0 : i32, i32, i32
  }
  func.func @transform_1(%arg0: i32) -> (i32, i32, i32) {
    %c0_i32 = arith.constant 0 : i32
    %c0_i32_0 = arith.constant 0 : i32
    %c0_i32_1 = arith.constant 0 : i32
    return %c0_i32, %c0_i32_0, %arg0 : i32, i32, i32
  }
  func.func @transform_2(%arg0: i32) -> (i32, i32) {
    %c0_i32 = arith.constant 0 : i32
    %c0_i32_0 = arith.constant 0 : i32
    %c0_i32_1 = arith.constant 0 : i32
    return %c0_i32, %c0_i32_0 : i32, i32
  }
  func.func @transform_3(%arg0: i32) -> (i32, i32) {
    %c0_i32 = arith.constant 0 : i32
    %c0_i32_0 = arith.constant 0 : i32
    %c0_i32_1 = arith.constant 0 : i32
    return %c0_i32, %c0_i32_0 : i32, i32
  }
  func.func @transform_4(%arg0: i32) -> (i32, i32) {
    %c0_i32 = arith.constant 0 : i32
    %c0_i32_0 = arith.constant 0 : i32
    return %arg0, %c0_i32 : i32, i32
  }
}

</mosaic_0001>

<sc_bundles>
// kernel: kernel.4.cloned.1.call-start
scs
__scs_entry_jumppad:
0x0: {  	(pc) =	sbr.rel $0x88, $3  }
0x1: {  	(tag) =	ssettag $0x0;
	lr =	simm.s32 $0x1  }
0x2: {  	[smem:$0x3F9F] =	sst lr;
	_ =	strace $0xD0000000  }
0x3: {  	_ = 	snop  }
0x4: {  	_ = 	snop  }
0x5: {  	_ = 	snop  }
0x6: {  	_ = 	snop  }
0x7: {  	_ = 	snop  }
__scs_overlays_trampoline_lowered:
0x8: {  	[smem:$0x3FAE] =	sst s0  }
0x9: {  	[smem:$0x3FAF] =	sst s1  }
0xa: {  	[smem:$0x3FB0] =	sst s2  }
0xb: {  	[smem:$0x3FB1] =	sst s3  }
0xc: {  	[smem:$0x3FB2] =	sst s4  }
0xd: {  	[smem:$0x3FB3] =	sst s5  }
0xe: {  	[smem:$0x3FB4] =	sst s6  }
0xf: {  	[smem:$0x3FB5] =	sst s7  }
0x10: {  	[smem:$0x3FB6] =	sst s8  }
0x11: {  	[smem:$0x3FB7] =	sst s9;
	s0 =	simm.s32 @!p0 $0x0  }
0x12: {  	s1 =	sld [smem:$0x3F9D];
	s0 =	simm.s32 @p0 $0x1  }
0x13: {  	[smem:$0x3FB8] =	sst s0;
	s0 =	simm.s32 @!p1 $0x0  }
0x14: {  	s2 =	sld [smem:$0x3F9C];
	s0 =	simm.s32 @p1 $0x1  }
0x15: {  	[smem:$0x3FB9] =	sst s0;
	s0 =	simm.s32 @!p2 $0x0  }
0x16: {  	s3 =	sld [smem:$0x3FDB];
	s0 =	simm.s32 @p2 $0x1  }
0x17: {  	s4 =	simm.s32 $0x1BF5;
	[smem:$0x3FBB] =	sst s0  }
0x18: {  	s0 =	sld [smem:$0x3F9E];
	_ =	swait.ge [sflag:s4], $0x0  }
0x19: {  	s7 =	sld [smem:$0x3F9F]  }
0x1a: {  	s8 =	sadd.s32 $0xFFFFE003, lr  }
0x1b: {  	s9 =	sadd.s32 $0xFFFFFEF7, lr;
	s5 =	simm.s32 $0xFFFFFFFF;
	p2 =	slt.u32 s8, $0xFFFFF086  }
0x1c: {  	p1 =	slt.u32 s9, $0xF7A;
	s5 =	simm.s32 @!p2 $0x0  }
0x1d: {  	s5 =	simm.s32 @p1 $0x1;
	p0 =	seq.s32 s7, s2  }
0x1e: {  	s7 =	smul.u32 @!p0 $0xF7A, s2;
	p2 =	seq.s32 @!p0 s5, $0x0  }
0x1f: {  	s9 =	smul.u32 $0xF7A, s1;
	s8 =	simm.s32 @!p0 $0x1BF5;
	p2 =	por !p2, p0  }
0x20: {  	[sflag:s8] =	ssyncset.s32 @!p0 $0xFFFFF086;
	s6 =	sadd.s32 @!p0 s3, s7;
	s7 =	simm.s32 @!p0 $0x108  }
0x21: {  	s3 =	sadd.s32 s3, s9;
	s6 =	sadd.s32 @!p0 $0x88, s6;
	s7 =	simm.s32 @p2 $0x1082  }
0x22: {  	[simem:s7], [sflag:s8] =	dma.local @!p0 [hbm:s6], $0xF7A  }
0x23: {  	s9 =	sor.u32 $0xD0000000, s2;
	s6 =	simm.s32 $0x108;
	_ =	swait.ge @!p0 [sflag:s8], $0x0  }
0x24: {  	s3 =	sadd.s32 $0x88, s3;
	s6 =	simm.s32 @!p1 $0x1082;
	[sflag:s4] =	ssyncset.s32 $0xFFFFF086  }
0x25: {  	[simem:s6], [sflag:s4] =	dma.local [hbm:s3], $0xF7A  }
0x26: {  	[smem:$0x3F9F] =	sst s1;
	(tag) =	ssettag s2;
	_ =	strace s9  }
0x27: {  	s1 =	sld [smem:$0x3FAF]  }
0x28: {  	s2 =	sld [smem:$0x3FB0]  }
0x29: {  	s4 =	sld [smem:$0x3FB2]  }
0x2a: {  	p0 =	seq.s32 s5, $0x0;
	s5 =	sld [smem:$0x3FB3]  }
0x2b: {  	s6 =	sld [smem:$0x3FB4]  }
0x2c: {  	s7 =	sld [smem:$0x3FB5]  }
0x2d: {  	s3 =	simm.s32 $0x108;
	s8 =	sld [smem:$0x3FB6]  }
0x2e: {  	s3 =	simm.s32 @!p0 $0x1082;
	s9 =	sld [smem:$0x3FB7]  }
0x2f: {  	lr =	sadd.s32 s0, s3;
	s0 =	sld [smem:$0x3FAE]  }
0x30: {  	s3 =	sld [smem:$0x3FB1]  }
0x31: {  	[smem:$0x3FBA] =	sst s10  }
0x32: {  	s10 =	sld [smem:$0x3FB8];
	_ =	sdelay $0x3  }
0x33: {  	p0 =	seq.s32 s10, $0x1;
	s10 =	sld [smem:$0x3FBA];
	_ =	sdelay $0x3  }
0x34: {  	[smem:$0x3FBA] =	sst s10  }
0x35: {  	s10 =	sld [smem:$0x3FB9];
	_ =	sdelay $0x3  }
0x36: {  	p1 =	seq.s32 s10, $0x1;
	s10 =	sld [smem:$0x3FBA];
	_ =	sdelay $0x3  }
0x37: {  	[smem:$0x3FBA] =	sst s10  }
0x38: {  	s10 =	sld [smem:$0x3FBB]  }
0x39: {  	_ = 	snop;
	(pc) =	sbr.ind lr, $3  }
0x3a: {  	_ = 	snop  }
0x3b: {  	_ = 	snop  }
0x3c: {  	p2 =	seq.s32 s10, $0x1;
	s10 =	sld [smem:$0x3FBA]  }
0x3d: {  	_ =	shalt  }
0x3e: {  	_ =	shalt  }
0x3f: {  	_ =	shalt  }
0x40: {  	_ =	shalt  }
0x41: {  	_ =	shalt  }
0x42: {  	_ =	shalt  }
0x43: {  	_ =	shalt  }
0x44: {  	_ =	shalt  }
0x45: {  	_ =	shalt  }
0x46: {  	_ =	shalt  }
0x47: {  	_ =	shalt  }
0x48: {  	_ =	shalt  }
0x49: {  	_ =	shalt  }
0x4a: {  	_ =	shalt  }
0x4b: {  	_ =	shalt  }
0x4c: {  	_ =	shalt  }
0x4d: {  	_ =	shalt  }
0x4e: {  	_ =	shalt  }
0x4f: {  	_ =	shalt  }
0x50: {  	_ =	shalt  }
0x51: {  	_ =	shalt  }
0x52: {  	_ =	shalt  }
0x53: {  	_ =	shalt  }
0x54: {  	_ =	shalt  }
0x55: {  	_ =	shalt  }
0x56: {  	_ =	shalt  }
0x57: {  	_ =	shalt  }
0x58: {  	_ =	shalt  }
0x59: {  	_ =	shalt  }
0x5a: {  	_ =	shalt  }
0x5b: {  	_ =	shalt  }
0x5c: {  	_ =	shalt  }
0x5d: {  	_ =	shalt  }
0x5e: {  	_ =	shalt  }
0x5f: {  	_ =	shalt  }
0x60: {  	_ =	shalt  }
0x61: {  	_ =	shalt  }
0x62: {  	_ =	shalt  }
0x63: {  	_ =	shalt  }
0x64: {  	_ =	shalt  }
0x65: {  	_ =	shalt  }
0x66: {  	_ =	shalt  }
0x67: {  	_ =	shalt  }
0x68: {  	_ =	shalt  }
0x69: {  	_ =	shalt  }
0x6a: {  	_ =	shalt  }
0x6b: {  	_ =	shalt  }
0x6c: {  	_ =	shalt  }
0x6d: {  	_ =	shalt  }
0x6e: {  	_ =	shalt  }
0x6f: {  	_ =	shalt  }
0x70: {  	_ =	shalt  }
0x71: {  	_ =	shalt  }
0x72: {  	_ =	shalt  }
0x73: {  	_ =	shalt  }
0x74: {  	_ =	shalt  }
0x75: {  	_ =	shalt  }
0x76: {  	_ =	shalt  }
0x77: {  	_ =	shalt  }
0x78: {  	_ =	shalt  }
0x79: {  	_ =	shalt  }
0x7a: {  	_ =	shalt  }
0x7b: {  	_ =	shalt  }
0x7c: {  	_ =	shalt  }
0x7d: {  	_ =	shalt  }
0x7e: {  	_ =	shalt  }
0x7f: {  	_ =	shalt  }
0x80: {  	_ =	shalt  }
0x81: {  	_ =	shalt  }
0x82: {  	_ =	shalt  }
0x83: {  	_ =	shalt  }
0x84: {  	_ =	shalt  }
0x85: {  	_ =	shalt  }
0x86: {  	_ =	shalt  }
0x87: {  	_ =	shalt  }
.Lfunc_end0:
.L_simem_size_0:
called_computation_lowered:
.L_overlay_start_0:
0x88: {  	s2 =	sld [smem:$0x3FD9]  }
0x89: {  	s3 =	sld [smem:$0x3FFE];
	_ =	sdelay $0x1  }
0x8a: {  	s1 =	srdreg.scid  }
0x8b: {  	s0 =	sand.u32 $0x1, s1  }
0x8c: {  	s16 =	sshll.u32 s0, $0xA;
	s2 =	sadd.s32 s3, s2  }
0x8d: {  	s2 =	sadd.s32 s2, s16  }
0x8e: {  	[smem:$0x3FC6] =	sst s2  }
0x8f: {  	_ = 	snop  }
0x90: {  	(tm) =	ssettm $0x1  }
0x91: {  	s17 =	sld [smem:$0x3FFB];
	_ =	sdelay $0x3  }
0x92: {  	_ =	strace s17  }
0x93: {  	s2 =	sld [smem:$0x3FFC];
	_ =	sdelay $0x3  }
0x94: {  	_ =	strace s2  }
0x95: {  	s2 =	sld [smem:$0x3FFD];
	_ =	sdelay $0x3  }
0x96: {  	_ =	strace s2  }
0x97: {  	_ =	strace $0x8FFFFFFF  }
0x98: {  	s18 =	sld [smem:$0x3FDB];
	_ =	sdelay $0x1  }
0x99: {  	s19 =	simm.s32 $_scs_section_size  }
0x9a: {  	s4 =	simm.s32 $_size__tile_overlayer_lowered;
	s5 =	simm.s32 $_tile_overlayer_lowered  }
0x9b: {  	s22 =	simm.s32 $0x1BFF;
	s21 =	sshll.u32 s5, $0x1;
	s2 =	sadd.s32 s19, s18  }
0x9c: {  	s6 =	simm.s32 $0x0;
	s20 =	sshll.u32 s4, $0x1;
	s4 =	sadd.s32 s21, s2  }
0x9d: {  	[timem:s6], [sflag:s22] =	dma.local [hbm:s4], s20  }
0x9e: {  	_ =	swait.ge [sflag:s22], s20  }
0x9f: {  	s3 =	ssub.s32 $0x0, s20;
	[sflag:s22] =	ssyncset.done $0x0  }
0xa0: {  	[sflag:s22] =	ssyncadd.s32 s3;
	_ =	sdelay $0x1  }
0xa1: {  	s23 =	simm.s32 $0x1B8B  }
0xa2: {  	_ =	swait.ge [sflag:s23], $0x1  }
0xa3: {  	[sflag:s23] =	ssyncset.done $0x0  }
0xa4: {  	s25 =	simm.s32 $0x1B8E;
	s24 =	sld [smem:$0x3FFE];
	[sflag:s23] =	ssyncadd.s32 $0xFFFFFFFF  }
0xa5: {  	s26 =	simm.s32 $execute0_lowered;
	[smem:$0x3FD2] =	sst s25  }
0xa6: {  	s4 =	sshll.u32 s26, $0x1;
	_ =	strace $0x80000046;
	[dreg:$0x1] =	wrdreg $0xFFFFFFFF  }
0xa7: {  	s28 =	simm.s32 $_size_execute0_lowered;
	s2 =	sadd.s32 s2, s4;
	[dreg:$0x0] =	wrdreg $0x0  }
0xa8: {  	s4 =	sshll.u32 s28, $0x1;
	[dreg:$0x2] =	wrdreg s2  }
0xa9: {  	[dreg:$0x3] =	wrdreg s4  }
0xaa: {  	[dreg:$0x4] =	wrdreg $0xC0  }
0xab: {  	_ =	task [dreg:s6], $0x5FFFF  }
0xac: {  	[dreg:$0x1] =	wrdreg $0xFFFFFFFF  }
0xad: {  	[dreg:$0x0] =	wrdreg $0x60  }
0xae: {  	[dreg:$0x2] =	wrdreg s24  }
0xaf: {  	[dreg:$0x3] =	wrdreg $0x8C800  }
0xb0: {  	[dreg:$0x4] =	wrdreg $0xCC800  }
0xb1: {  	[dreg:$0x5] =	wrdreg $0x10C800  }
0xb2: {  	[dreg:$0x6] =	wrdreg $0x14C800  }
0xb3: {  	[dreg:$0x7] =	wrdreg $0x18C800  }
0xb4: {  	[dreg:$0x8] =	wrdreg $0x9  }
0xb5: {  	_ =	task.clear_ibuf [dreg:s6], $0x9FFFF;
	_ =	strace $0x90000046  }
0xb6: {  	s29 =	simm.s32 $0x9;
	_ =	strace $0x80000048  }
0xb7: {  	_ =	swait.ge [sflag:s29], $0x1  }
0xb8: {  	[sflag:s29] =	ssyncadd.s32 $0xFFFFFFFF  }
0xb9: {  	_ =	strace $0x90000048  }
0xba: {  	_ =	sfence  }
0xbb: {  	s30 =	sld [smem:$0x0];
	_ =	sdelay $0x2  }
0xbc: {  	s31 =	sshll.u32 s1, $0xD;
	s1 =	sshrl.u32 s1, $0x2  }
0xbd: {  	s3 =	sand.u32 $0x4000, s31;
	s1 =	sadd.s32 s1, s30  }
0xbe: {  	s0 =	sor.u32 s3, s0;
	s1 =	sshll.u32 s1, $0x11  }
0xbf: {  	s0 =	sor.u32 s1, s0  }
0xc0: {  	s0 =	sadd.s32 $0x8F2B, s0  }
0xc1: {  	[sflag:s0] =	ssyncadd.remote.s32 $0x1  }
0xc2: {  	_ =	sfence.sel $0xFFFF  }
0xc3: {  	[dreg:$0x0] =	wrdreg $0xFFFFFFFF;
	(pc) =	sbr.abs _section_cstart, $3  }
0xc4: {  	[dreg:$0x1] =	wrdreg $0xFFFFFFFF  }
0xc5: {  	_ =	task.clear_ibuf [dreg:s6], $0x2FFFF;
	_ =	strace $0x9FFFFFFF  }
0xc6: {  	(tm) =	ssettm $0x7FFFFFFF  }
0xc7: {  	_ =	shalt  }
tec
execute0_lowered:
.L_overlay_start_1:
0x0: {  	(tag) =	ssettag $0x1  }
0x1: {  	s3 =	rddreg [dreg:$0x0]  }
0x2: {  	s0 =	rddreg [dreg:$0x1]  }
0x3: {  	s1 =	rddreg [dreg:$0x2]  }
0x4: {  	s2 =	rddreg [dreg:$0x3]  }
0x5: {  	s4 =	srdreg.scid;
	s5 =	rddreg [dreg:$0x4]  }
0x6: {  	s6 =	rddreg [dreg:$0x5];
	s14 =	stileid.u32  }
0x7: {  	s7 =	simm.s32 $0x0;
	s28 =	simm.s32 $0x2;
	s29 =	simm.s32 $0x4C00  }
0x8: {  	s30 =	simm.s32 $0x4980;
	s4 =	sand.u32 $0x1, s4;
	[smem:$0x7FF] =	sst s7  }
0x9: {  	s9 =	sshll.u32 s14, $0xE;
	s8 =	sshll.u32 s4, $0x4;
	_ =	strace $0x80000047  }
0xa: {  	s10 =	sshll.u32 s4, $0x15;
	s11 =	ssub.s32 $0x2, s4;
	s15 =	sadd.s32 s9, s0  }
0xb: {  	s16 =	sadd.s32 s9, s1;
	s8 =	sor.u32 s14, s8;
	[dreg:$0xa] =	wrdreg s15  }
0xc: {  	s17 =	sadd.s32 s9, s2;
	[dreg:$0xb] =	wrdreg s16;
	s8 =	smul.u32 $0x1880, s8  }
0xd: {  	s18 =	sadd.s32 s9, s5;
	s10 =	sor.u32 s9, s10;
	[dreg:$0xc] =	wrdreg s17  }
0xe: {  	s13 =	sshrl.u32 s11, $0x1;
	[dreg:$0xd] =	wrdreg s18;
	s8 =	sshrl.u32 s8, $0x3  }
0xf: {  	s9 =	sadd.s32 s9, s6;
	s10 =	sshrl.u32 s10, $0x3;
	s12 =	sadd.s32 s8, s3  }
0x10: {  	[dreg:$0xe] =	wrdreg s9;
	s8 =	sadd.s32 $0x14C00, s3;
	s26 =	sadd.s32 $0xEA00, s12  }
0x11: {  	s3 =	sadd.s32 s10, s3;
	s31 =	sadd.s32 $0x8800, s12;
	[dreg:$0x7] =	wrdreg s26  }
0x12: {  	s10 =	ssub.s32 s11, s13;
	s13 =	sadd.s32 $0x2600, s12;
	[dreg:$0x8] =	wrdreg s31  }
0x13: {  	s21 =	smul.u32 $0x1880, s14;
	s19 =	sadd.s32 $0x15400, s3;
	[dreg:$0x9] =	wrdreg s13  }
0x14: {  	s4 =	smul.u32 $0x18800, s4;
	s20 =	sadd.s32 $0x1D400, s3;
	[dreg:$0xf] =	wrdreg s19  }
0x15: {  	s9 =	simm.s32 $0x4A80;
	s22 =	sadd.s32 $0x25400, s3;
	[dreg:$0x10] =	wrdreg s20  }
0x16: {  	s11 =	simm.s32 $0x4B80;
	s23 =	sadd.s32 $0x2D400, s3;
	[dreg:$0x11] =	wrdreg s22  }
0x17: {  	s24 =	sadd.s32 $0x35400, s3;
	s25 =	sadd.s32 $0x3D400, s3;
	[dreg:$0x12] =	wrdreg s23  }
0x18: {  	s12 =	simm.s32 $0x1;
	[dreg:$0x13] =	wrdreg s24;
	s22 =	sadd.s32 s21, s4  }
0x19: {  	[dreg:$0x14] =	wrdreg s25;
	s26 =	sadd.s32 $0x45400, s3;
	s3 =	sadd.s32 $0x4D400, s3  }
0x1a: {  	s31 =	smax.u32 s10, $0x1;
	s20 =	simm.s32 $0x4C80;
	[dreg:$0x15] =	wrdreg s26  }
0x1b: {  	s4 =	simm.s32 $0x4A00;
	s10 =	simm.s32 $0x4B00;
	[dreg:$0x16] =	wrdreg s3  }
0x1c: {  	v0 =	vimm.f32 $1.000000000e+00;
	s13 =	simm.s32 $0x0;
	[dreg:$0x17] =	wrdreg s31;
	s3 =	simm.s32 $0x80  }
.LBB2_1:
0x1d: {  	s14 =	rddreg [dreg:$0x7]  }
0x1e: {  	[tilespmem:s7], [sflag:$0x2] =	stream.linear.gather [hbm4b:s14+s7], $0x1880, $0x38;
	[tilespmem:$0x1CC80] =	vst v63  }
0x1f: {  	_ =	swait.ge [sflag:s28], $0x1880  }
0x20: {  	[sflag:s28] =	ssyncset.done $0x0  }
0x21: {  	s15 =	simm.s32 $0x1880;
	s21 =	rddreg [dreg:$0x8];
	[sflag:s28] =	ssyncadd.s32 $0xFFFFE780  }
0x22: {  	[tilespmem:s15], [sflag:$0x2] =	stream.linear.gather [hbm4b:s21+s7], $0x1880, $0x38;
	[tilespmem:$0x1CC80] =	vst v63  }
0x23: {  	_ =	swait.ge [sflag:s28], $0x1880  }
0x24: {  	[sflag:s28] =	ssyncset.done $0x0  }
0x25: {  	s24 =	simm.s32 $0x3100;
	s23 =	rddreg [dreg:$0x9];
	[sflag:s28] =	ssyncadd.s32 $0xFFFFE780  }
0x26: {  	[tilespmem:s24], [sflag:$0x2] =	stream.linear.gather [hbm4b:s23+s7], $0x1880, $0x38;
	[tilespmem:$0x1CC80] =	vst v63  }
0x27: {  	s25 =	stileid.u32;
	_ =	swait.ge [sflag:s28], $0x1880  }
0x28: {  	s14 =	sshll.u32 s25, $0x6;
	[sflag:s28] =	ssyncset.done $0x0;
	s26 =	rddreg [dreg:$0xa]  }
0x29: {  	s14 =	sor.u32 $0x1C02, s14;
	[sflag:s28] =	ssyncadd.s32 $0xFFFFE780;
	s15 =	sshrl.u32 s26, $0x3  }
0x2a: {  	[spmem:s15], [sflag:s14] =	dma.local [hbm:s8], $0x800  }
0x2b: {  	_ =	swait.ge [sflag:s28], $0x800  }
0x2c: {  	[sflag:s28] =	ssyncset.done $0x0;
	s16 =	rddreg [dreg:$0xb]  }
0x2d: {  	[sflag:s28] =	ssyncadd.s32 $0xFFFFF800;
	s16 =	sshrl.u32 s16, $0x3  }
0x2e: {  	[spmem:s16], [sflag:s14] =	dma.local [hbm:s8], $0x800  }
0x2f: {  	_ =	swait.ge [sflag:s28], $0x800  }
0x30: {  	[sflag:s28] =	ssyncset.done $0x0;
	s17 =	rddreg [dreg:$0xc]  }
0x31: {  	[sflag:s28] =	ssyncadd.s32 $0xFFFFF800;
	s17 =	sshrl.u32 s17, $0x3  }
0x32: {  	[spmem:s17], [sflag:s14] =	dma.local [hbm:s8], $0x800  }
0x33: {  	_ =	swait.ge [sflag:s28], $0x800  }
0x34: {  	[sflag:s28] =	ssyncset.done $0x0;
	s18 =	rddreg [dreg:$0xd]  }
0x35: {  	[sflag:s28] =	ssyncadd.s32 $0xFFFFF800;
	s18 =	sshrl.u32 s18, $0x3  }
0x36: {  	[spmem:s18], [sflag:s14] =	dma.local [hbm:s8], $0x800  }
0x37: {  	_ =	swait.ge [sflag:s28], $0x800  }
0x38: {  	[sflag:s28] =	ssyncset.done $0x0;
	s19 =	rddreg [dreg:$0xe]  }
0x39: {  	[sflag:s28] =	ssyncadd.s32 $0xFFFFF800;
	s19 =	sshrl.u32 s19, $0x3  }
0x3a: {  	[spmem:s19], [sflag:s14] =	dma.local [hbm:s8], $0x800  }
0x3b: {  	_ =	swait.ge [sflag:s28], $0x800  }
0x3c: {  	[sflag:s28] =	ssyncset.done $0x0  }
0x3d: {  	[sflag:s28] =	ssyncadd.s32 $0xFFFFF800  }
0x3e: {  	[tilespmem:s20], [sflag:$0x2] =	stream.linear.gather [hbm4b:s8+s7], $0x4000, $0x38;
	[tilespmem:$0x1CC80] =	vst v63  }
0x3f: {  	_ =	swait.ge [sflag:s28], $0x4000  }
0x40: {  	[sflag:s28] =	ssyncset.done $0x0  }
0x41: {  	[sflag:s28] =	ssyncadd.s32 $0xFFFFC000  }
0x42: {  	s20 =	simm.s32 $0x40;
	[bflag:$0x0] =	sbarrier.arrive $0xFFFF  }
0x43: {  	s21 =	simm.s32 $0x18C0;
	v1 =	vld [tilespmem:s20+$0xFFFFFFC0]  }
0x44: {  	v2 =	vld [tilespmem:s21+$0xFFFFFFC0]  }
0x45: {  	s23 =	simm.s32 $0x3140  }
0x46: {  	v3 =	vld [tilespmem:s23+$0xFFFFFFC0];
	_ =	sdelay $0x2  }
0x47: {  	v4 =	vtrunc.f32 v1;
	v5 =	vtrunc.f32 v2  }
0x48: {  	v4 =	vcvt.f32.s32 v4;
	v5 =	vcvt.f32.s32 v5  }
0x49: {  	v6 =	vtrunc.f32 v3  }
0x4a: {  	v6 =	vcvt.f32.s32 v6;
	vm0 =	vlt.s32 v4, $0x3F;
	vm7 =	vlt.s32 v5, $0x3F  }
0x4b: {  	v4 =	vnsel vm0, $0x3F, v4;
	v5 =	vnsel vm7, $0x3F, v5  }
0x4c: {  	vm8 =	vlt.s32 v6, $0x3F;
	v7 =	vcvt.s32.f32 v4;
	v8 =	vcvt.s32.f32 v5  }
0x4d: {  	s24 =	sadd.s32 $0x0, s22;
	v6 =	vnsel vm8, $0x3F, v6;
	v4 =	vshll.u32 v4, $0xC;
	v5 =	vshll.u32 v5, $0x6  }
0x4e: {  	p0 =	slt.u32 s24, $0x30D40;
	v45 =	vcvt.s32.f32 v6;
	v1 =	vsub.f32 v1, v7;
	v2 =	vsub.f32 v2, v8  }
0x4f: {  	v48 =	vpsel !p0, $0x0, v0;
	v4 =	vadd.s32 v4, v5  }
0x50: {  	v3 =	vsub.f32 v3, v45;
	v46 =	vmul.f32 v1, v1;
	v47 =	vmul.f32 v2, v2  }
0x51: {  	[tilespmem:$0x4980] =	vst v48;
	v4 =	vadd.s32 v6, v4  }
0x52: {  	[tilespmem:$0x4C00] =	vst v4;
	v49 =	vmul.f32 v3, v3;
	v5 =	vadd.f32 v47, v46  }
0x53: {  	[tilespmem:$0x4B00] =	vst v3  }
0x54: {  	[tilespmem:$0x4A00] =	vst v1;
	v3 =	vadd.f32 v49, v5  }
0x55: {  	[tilespmem:$0x4A80] =	vst v2  }
0x56: {  	[tilespmem:$0x4B80] =	vst v3  }
0x57: {  	v2 =	vld [tilespmem:s20+$0xFFFFFFD0]  }
0x58: {  	v3 =	vld [tilespmem:s21+$0xFFFFFFD0];
	_ =	sdelay $0x1  }
0x59: {  	v1 =	vld [tilespmem:s23+$0xFFFFFFD0];
	_ =	sdelay $0x2  }
0x5a: {  	v50 =	vtrunc.f32 v2;
	v52 =	vtrunc.f32 v3  }
0x5b: {  	v4 =	vcvt.f32.s32 v50;
	v6 =	vcvt.f32.s32 v52  }
0x5c: {  	v51 =	vtrunc.f32 v1  }
0x5d: {  	v5 =	vcvt.f32.s32 v51;
	vm9 =	vlt.s32 v4, $0x3F;
	vm1 =	vlt.s32 v6, $0x3F  }
0x5e: {  	v4 =	vnsel vm9, $0x3F, v4;
	v6 =	vnsel vm1, $0x3F, v6  }
0x5f: {  	vm2 =	vlt.s32 v5, $0x3F;
	v53 =	vcvt.s32.f32 v4;
	v54 =	vcvt.s32.f32 v6  }
0x60: {  	s25 =	sadd.s32 $0x10, s24;
	v5 =	vnsel vm2, $0x3F, v5  }
0x61: {  	p6 =	slt.u32 s25, $0x30D40;
	v9 =	vcvt.s32.f32 v5;
	v2 =	vsub.f32 v2, v53;
	v3 =	vsub.f32 v3, v54  }
0x62: {  	v55 =	vpsel !p6, $0x0, v0;
	v4 =	vshll.u32 v4, $0xC;
	v6 =	vshll.u32 v6, $0x6  }
0x63: {  	v1 =	vsub.f32 v1, v9;
	v7 =	vmul.f32 v2, v2;
	v8 =	vmul.f32 v3, v3  }
0x64: {  	[tilespmem:$0x4990] =	vst v55;
	v4 =	vadd.s32 v4, v6  }
0x65: {  	v4 =	vadd.s32 v5, v4;
	[tilespmem:$0x4B10] =	vst v1;
	v1 =	vmul.f32 v1, v1;
	v56 =	vadd.f32 v8, v7  }
0x66: {  	[tilespmem:$0x4C10] =	vst v4  }
0x67: {  	[tilespmem:$0x4A90] =	vst v3;
	v1 =	vadd.f32 v1, v56  }
0x68: {  	[tilespmem:$0x4A10] =	vst v2  }
0x69: {  	[tilespmem:$0x4B90] =	vst v1  }
0x6a: {  	v1 =	vld [tilespmem:s20+$0xFFFFFFE0]  }
0x6b: {  	v2 =	vld [tilespmem:s21+$0xFFFFFFE0]  }
0x6c: {  	v3 =	vld [tilespmem:s23+$0xFFFFFFE0];
	_ =	sdelay $0x3  }
0x6d: {  	v57 =	vtrunc.f32 v1  }
0x6e: {  	v58 =	vtrunc.f32 v2;
	v59 =	vtrunc.f32 v3  }
0x6f: {  	v4 =	vcvt.f32.s32 v57;
	v5 =	vcvt.f32.s32 v58  }
0x70: {  	v6 =	vcvt.f32.s32 v59  }
0x71: {  	vm10 =	vlt.s32 v4, $0x3F;
	vm11 =	vlt.s32 v5, $0x3F  }
0x72: {  	vm12 =	vlt.s32 v6, $0x3F;
	v4 =	vnsel vm10, $0x3F, v4;
	v5 =	vnsel vm11, $0x3F, v5  }
0x73: {  	v6 =	vnsel vm12, $0x3F, v6;
	v60 =	vcvt.s32.f32 v4;
	v61 =	vcvt.s32.f32 v5  }
0x74: {  	s31 =	sadd.s32 $0x20, s24;
	v5 =	vshll.u32 v5, $0x6;
	v62 =	vcvt.s32.f32 v6  }
0x75: {  	p1 =	slt.u32 s31, $0x30D40;
	v4 =	vshll.u32 v4, $0xC;
	v1 =	vsub.f32 v1, v60;
	v2 =	vsub.f32 v2, v61  }
0x76: {  	v13 =	vpsel !p1, $0x0, v0;
	v4 =	vadd.s32 v4, v5  }
0x77: {  	v3 =	vsub.f32 v3, v62;
	v63 =	vmul.f32 v1, v1;
	v12 =	vmul.f32 v2, v2  }
0x78: {  	[tilespmem:$0x49A0] =	vst v13;
	v4 =	vadd.s32 v6, v4  }
0x79: {  	[tilespmem:$0x4C20] =	vst v4;
	v14 =	vmul.f32 v3, v3;
	v5 =	vadd.f32 v12, v63  }
0x7a: {  	[tilespmem:$0x4A20] =	vst v1  }
0x7b: {  	[tilespmem:$0x4AA0] =	vst v2;
	v1 =	vadd.f32 v14, v5  }
0x7c: {  	[tilespmem:$0x4B20] =	vst v3  }
0x7d: {  	[tilespmem:$0x4BA0] =	vst v1  }
0x7e: {  	v1 =	vld [tilespmem:s20+$0xFFFFFFF0]  }
0x7f: {  	v2 =	vld [tilespmem:s21+$0xFFFFFFF0]  }
0x80: {  	v3 =	vld [tilespmem:s23+$0xFFFFFFF0];
	_ =	sdelay $0x3  }
0x81: {  	v15 =	vtrunc.f32 v1  }
0x82: {  	v16 =	vtrunc.f32 v2;
	v17 =	vtrunc.f32 v3  }
0x83: {  	v4 =	vcvt.f32.s32 v15;
	v5 =	vcvt.f32.s32 v16  }
0x84: {  	v6 =	vcvt.f32.s32 v17  }
0x85: {  	vm13 =	vlt.s32 v4, $0x3F;
	vm14 =	vlt.s32 v5, $0x3F  }
0x86: {  	vm15 =	vlt.s32 v6, $0x3F;
	v4 =	vnsel vm13, $0x3F, v4;
	v5 =	vnsel vm14, $0x3F, v5  }
0x87: {  	v6 =	vnsel vm15, $0x3F, v6;
	v18 =	vcvt.s32.f32 v4;
	v19 =	vcvt.s32.f32 v5  }
0x88: {  	s26 =	sadd.s32 $0x30, s24;
	v5 =	vshll.u32 v5, $0x6;
	v20 =	vcvt.s32.f32 v6  }
0x89: {  	p2 =	slt.u32 s26, $0x30D40;
	v4 =	vshll.u32 v4, $0xC;
	v1 =	vsub.f32 v1, v18;
	v2 =	vsub.f32 v2, v19  }
0x8a: {  	v23 =	vpsel !p2, $0x0, v0;
	v4 =	vadd.s32 v4, v5  }
0x8b: {  	v3 =	vsub.f32 v3, v20;
	v21 =	vmul.f32 v1, v1;
	v22 =	vmul.f32 v2, v2  }
0x8c: {  	[tilespmem:$0x49B0] =	vst v23;
	v4 =	vadd.s32 v6, v4  }
0x8d: {  	[tilespmem:$0x4C30] =	vst v4;
	v24 =	vmul.f32 v3, v3;
	v5 =	vadd.f32 v22, v21  }
0x8e: {  	[tilespmem:$0x4A30] =	vst v1  }
0x8f: {  	[tilespmem:$0x4AB0] =	vst v2;
	v1 =	vadd.f32 v24, v5  }
0x90: {  	[tilespmem:$0x4B30] =	vst v3  }
0x91: {  	[tilespmem:$0x4BB0] =	vst v1  }
0x92: {  	v1 =	vld [tilespmem:s20+$0x0]  }
0x93: {  	v2 =	vld [tilespmem:s21+$0x0];
	_ =	sdelay $0x1  }
0x94: {  	v3 =	vld [tilespmem:s23+$0x0];
	_ =	sdelay $0x2  }
0x95: {  	v25 =	vtrunc.f32 v1;
	v26 =	vtrunc.f32 v2  }
0x96: {  	v4 =	vcvt.f32.s32 v25;
	v5 =	vcvt.f32.s32 v26  }
0x97: {  	v27 =	vtrunc.f32 v3  }
0x98: {  	v6 =	vcvt.f32.s32 v27;
	vm4 =	vlt.s32 v4, $0x3F;
	vm5 =	vlt.s32 v5, $0x3F  }
0x99: {  	v4 =	vnsel vm4, $0x3F, v4;
	v5 =	vnsel vm5, $0x3F, v5  }
0x9a: {  	vm6 =	vlt.s32 v6, $0x3F;
	v28 =	vcvt.s32.f32 v4;
	v29 =	vcvt.s32.f32 v5  }
0x9b: {  	v6 =	vnsel vm6, $0x3F, v6  }
0x9c: {  	v30 =	vcvt.s32.f32 v6;
	v1 =	vsub.f32 v1, v28;
	v2 =	vsub.f32 v2, v29;
	_ =	sdelay $0x1  }
0x9d: {  	v3 =	vsub.f32 v3, v30;
	v31 =	vmul.f32 v1, v1;
	v32 =	vmul.f32 v2, v2  }
0x9e: {  	v4 =	vshll.u32 v4, $0xC;
	v5 =	vshll.u32 v5, $0x6;
	[tilespmem:$0x4A40] =	vst v1  }
0x9f: {  	s31 =	sadd.s32 $0x40, s24;
	v4 =	vadd.s32 v4, v5;
	[tilespmem:$0x4AC0] =	vst v2;
	v33 =	vmul.f32 v3, v3;
	v2 =	vadd.f32 v32, v31  }
0xa0: {  	p3 =	slt.u32 s31, $0x30D40;
	v1 =	vadd.s32 v6, v4;
	[tilespmem:$0x4B40] =	vst v3  }
0xa1: {  	[tilespmem:$0x4C40] =	vst v1;
	v1 =	vadd.f32 v33, v2;
	v2 =	vpsel !p3, $0x0, v0  }
0xa2: {  	[tilespmem:$0x49C0] =	vst v2  }
0xa3: {  	[tilespmem:$0x4BC0] =	vst v1  }
0xa4: {  	v1 =	vld [tilespmem:s20+$0x10]  }
0xa5: {  	v2 =	vld [tilespmem:s21+$0x10];
	_ =	sdelay $0x1  }
0xa6: {  	v3 =	vld [tilespmem:s23+$0x10];
	_ =	sdelay $0x2  }
0xa7: {  	v34 =	vtrunc.f32 v1;
	v35 =	vtrunc.f32 v2  }
0xa8: {  	v4 =	vcvt.f32.s32 v34;
	v5 =	vcvt.f32.s32 v35  }
0xa9: {  	v36 =	vtrunc.f32 v3  }
0xaa: {  	v6 =	vcvt.f32.s32 v36;
	vm7 =	vlt.s32 v4, $0x3F;
	vm8 =	vlt.s32 v5, $0x3F  }
0xab: {  	v4 =	vnsel vm7, $0x3F, v4;
	v5 =	vnsel vm8, $0x3F, v5  }
0xac: {  	vm9 =	vlt.s32 v6, $0x3F;
	v37 =	vcvt.s32.f32 v4;
	v38 =	vcvt.s32.f32 v5  }
0xad: {  	s26 =	sadd.s32 $0x50, s24;
	v6 =	vnsel vm9, $0x3F, v6  }
0xae: {  	p4 =	slt.u32 s26, $0x30D40;
	v39 =	vcvt.s32.f32 v6;
	v1 =	vsub.f32 v1, v37;
	v2 =	vsub.f32 v2, v38  }
0xaf: {  	v40 =	vpsel !p4, $0x0, v0  }
0xb0: {  	v3 =	vsub.f32 v3, v39;
	v41 =	vmul.f32 v1, v1;
	v42 =	vmul.f32 v2, v2  }
0xb1: {  	[tilespmem:$0x49D0] =	vst v40;
	v5 =	vshll.u32 v5, $0x6  }
0xb2: {  	v4 =	vshll.u32 v4, $0xC;
	[tilespmem:$0x4A50] =	vst v1;
	v43 =	vmul.f32 v3, v3;
	v1 =	vadd.f32 v42, v41  }
0xb3: {  	v4 =	vadd.s32 v4, v5;
	[tilespmem:$0x4AD0] =	vst v2  }
0xb4: {  	v2 =	vadd.s32 v6, v4;
	[tilespmem:$0x4B50] =	vst v3;
	v1 =	vadd.f32 v43, v1  }
0xb5: {  	[tilespmem:$0x4C50] =	vst v2  }
0xb6: {  	[tilespmem:$0x4BD0] =	vst v1  }
0xb7: {  	v1 =	vld [tilespmem:s20+$0x20]  }
0xb8: {  	v2 =	vld [tilespmem:s21+$0x20];
	_ =	sdelay $0x1  }
0xb9: {  	v3 =	vld [tilespmem:s23+$0x20];
	_ =	sdelay $0x2  }
0xba: {  	v44 =	vtrunc.f32 v1;
	v45 =	vtrunc.f32 v2  }
0xbb: {  	v4 =	vcvt.f32.s32 v44;
	v5 =	vcvt.f32.s32 v45  }
0xbc: {  	v46 =	vtrunc.f32 v3  }
0xbd: {  	v6 =	vcvt.f32.s32 v46;
	vm10 =	vlt.s32 v4, $0x3F;
	vm11 =	vlt.s32 v5, $0x3F  }
0xbe: {  	v4 =	vnsel vm10, $0x3F, v4;
	v5 =	vnsel vm11, $0x3F, v5  }
0xbf: {  	vm12 =	vlt.s32 v6, $0x3F;
	v47 =	vcvt.s32.f32 v4;
	v48 =	vcvt.s32.f32 v5  }
0xc0: {  	s31 =	sadd.s32 $0x60, s24;
	v6 =	vnsel vm12, $0x3F, v6  }
0xc1: {  	p5 =	slt.u32 s31, $0x30D40;
	v49 =	vcvt.s32.f32 v6;
	v1 =	vsub.f32 v1, v47;
	v2 =	vsub.f32 v2, v48  }
0xc2: {  	v50 =	vpsel !p5, $0x0, v0;
	v4 =	vshll.u32 v4, $0xC;
	v5 =	vshll.u32 v5, $0x6  }
0xc3: {  	v3 =	vsub.f32 v3, v49;
	v51 =	vmul.f32 v1, v1;
	v52 =	vmul.f32 v2, v2  }
0xc4: {  	[tilespmem:$0x49E0] =	vst v50;
	v4 =	vadd.s32 v4, v5  }
0xc5: {  	v4 =	vadd.s32 v6, v4;
	[tilespmem:$0x4A60] =	vst v1;
	v53 =	vmul.f32 v3, v3;
	v1 =	vadd.f32 v52, v51  }
0xc6: {  	[tilespmem:$0x4C60] =	vst v4  }
0xc7: {  	[tilespmem:$0x4AE0] =	vst v2;
	v1 =	vadd.f32 v53, v1  }
0xc8: {  	[tilespmem:$0x4B60] =	vst v3  }
0xc9: {  	[tilespmem:$0x4BE0] =	vst v1  }
0xca: {  	v1 =	vld [tilespmem:s20+$0x30]  }
0xcb: {  	v2 =	vld [tilespmem:s21+$0x30];
	_ =	sdelay $0x1  }
0xcc: {  	v3 =	vld [tilespmem:s23+$0x30];
	_ =	sdelay $0x2  }
0xcd: {  	v54 =	vtrunc.f32 v1;
	v55 =	vtrunc.f32 v2  }
0xce: {  	v4 =	vcvt.f32.s32 v54;
	v5 =	vcvt.f32.s32 v55  }
0xcf: {  	v56 =	vtrunc.f32 v3  }
0xd0: {  	v6 =	vcvt.f32.s32 v56;
	vm13 =	vlt.s32 v4, $0x3F;
	vm14 =	vlt.s32 v5, $0x3F  }
0xd1: {  	v4 =	vnsel vm13, $0x3F, v4;
	v5 =	vnsel vm14, $0x3F, v5  }
0xd2: {  	vm15 =	vlt.s32 v6, $0x3F;
	v57 =	vcvt.s32.f32 v4;
	v58 =	vcvt.s32.f32 v5  }
0xd3: {  	s24 =	sadd.s32 $0x70, s24;
	v6 =	vnsel vm15, $0x3F, v6  }
0xd4: {  	p6 =	slt.u32 s24, $0x30D40;
	v59 =	vcvt.s32.f32 v6;
	v1 =	vsub.f32 v1, v57;
	v2 =	vsub.f32 v2, v58  }
0xd5: {  	v60 =	vpsel !p6, $0x0, v0  }
0xd6: {  	v3 =	vsub.f32 v3, v59;
	v61 =	vmul.f32 v1, v1;
	v62 =	vmul.f32 v2, v2  }
0xd7: {  	[tilespmem:$0x49F0] =	vst v60;
	v5 =	vshll.u32 v5, $0x6  }
0xd8: {  	v4 =	vshll.u32 v4, $0xC;
	[tilespmem:$0x4A70] =	vst v1;
	v63 =	vmul.f32 v3, v3;
	v1 =	vadd.f32 v62, v61  }
0xd9: {  	v4 =	vadd.s32 v4, v5;
	[tilespmem:$0x4AF0] =	vst v2  }
0xda: {  	v2 =	vadd.s32 v6, v4;
	[tilespmem:$0x4B70] =	vst v3;
	v1 =	vadd.f32 v63, v1  }
0xdb: {  	[tilespmem:$0x4C70] =	vst v2  }
0xdc: {  	[tilespmem:$0x4BF0] =	vst v1  }
0xdd: {  	[spmem:s0] =	stream.indirect.scatter.add.f32 [tilespmem:s30], [sflag:$0x1], $0x1, s29, s3, $0xb8;
	[tilespmem:$0x1CC80] =	vst v63  }
0xde: {  	_ = 	snop  }
0xdf: {  	[spmem:s1] =	stream.indirect.scatter.add.f32 [tilespmem:s4], [sflag:$0x1], $0x1, s29, s3, $0xb8;
	[tilespmem:$0x1CC80] =	vst v63  }
0xe0: {  	_ = 	snop  }
0xe1: {  	[spmem:s2] =	stream.indirect.scatter.add.f32 [tilespmem:s9], [sflag:$0x1], $0x1, s29, s3, $0xb8;
	[tilespmem:$0x1CC80] =	vst v63  }
0xe2: {  	_ = 	snop  }
0xe3: {  	[spmem:s5] =	stream.indirect.scatter.add.f32 [tilespmem:s10], [sflag:$0x1], $0x1, s29, s3, $0xb8;
	[tilespmem:$0x1CC80] =	vst v63  }
0xe4: {  	_ = 	snop  }
0xe5: {  	[spmem:s6] =	stream.indirect.scatter.add.f32 [tilespmem:s11], [sflag:$0x1], $0x1, s29, s3, $0xb8;
	[tilespmem:$0x1CC80] =	vst v63  }
0xe6: {  	_ =	swait.ge [sflag:s12], $0x80  }
0xe7: {  	[sflag:s12] =	ssyncset.done $0x0  }
0xe8: {  	[sflag:s12] =	ssyncadd.s32 $0xFFFFFF80  }
0xe9: {  	_ =	swait.ge [sflag:s12], $0x80  }
0xea: {  	s24 =	simm.s32 $0x80;
	[sflag:s12] =	ssyncset.done $0x0  }
.LBB2_2:
0xeb: {  	p0 =	sne.s32 s24, $0x1800  }
0xec: {  	s25 =	simm.s32 @!p0 $0x0  }
0xed: {  	s25 =	simm.s32 @p0 $0x1  }
0xee: {  	[sflag:s12] =	ssyncadd.s32 $0xFFFFFF80;
	[smem:$0x7FD] =	sst s25  }
0xef: {  	_ =	swait.ge [sflag:s12], $0x80  }
0xf0: {  	[sflag:s12] =	ssyncset.done $0x0  }
0xf1: {  	[sflag:s12] =	ssyncadd.s32 $0xFFFFFF80  }
0xf2: {  	_ =	swait.ge [sflag:s12], $0x80  }
0xf3: {  	[sflag:s12] =	ssyncset.done $0x0  }
0xf4: {  	[sflag:s12] =	ssyncadd.s32 $0xFFFFFF80  }
0xf5: {  	_ =	swait.ge [sflag:s12], $0x80  }
0xf6: {  	[sflag:s12] =	ssyncset.done $0x0  }
0xf7: {  	s20 =	sadd.s32 $0x80, s20;
	[sflag:s12] =	ssyncadd.s32 $0xFFFFFF80  }
0xf8: {  	s21 =	sadd.s32 $0x80, s21;
	v1 =	vld [tilespmem:s20+$0xFFFFFFC0]  }
0xf9: {  	v2 =	vld [tilespmem:s21+$0xFFFFFFC0]  }
0xfa: {  	s23 =	sadd.s32 $0x80, s23  }
0xfb: {  	v3 =	vld [tilespmem:s23+$0xFFFFFFC0];
	_ =	sdelay $0x2  }
0xfc: {  	v4 =	vtrunc.f32 v1;
	v5 =	vtrunc.f32 v2  }
0xfd: {  	v4 =	vcvt.f32.s32 v4;
	v5 =	vcvt.f32.s32 v5  }
0xfe: {  	v6 =	vtrunc.f32 v3  }
0xff: {  	v6 =	vcvt.f32.s32 v6;
	vm0 =	vlt.s32 v4, $0x3F;
	vm7 =	vlt.s32 v5, $0x3F  }
0x100: {  	v4 =	vnsel vm0, $0x3F, v4;
	v5 =	vnsel vm7, $0x3F, v5  }
0x101: {  	s26 =	smov.u32 s24;
	vm8 =	vlt.s32 v6, $0x3F;
	v7 =	vcvt.s32.f32 v4;
	v8 =	vcvt.s32.f32 v5  }
0x102: {  	s25 =	sadd.s32 s26, s22;
	v6 =	vnsel vm8, $0x3F, v6;
	v4 =	vshll.u32 v4, $0xC;
	v5 =	vshll.u32 v5, $0x6  }
0x103: {  	p1 =	slt.u32 s25, $0x30D40;
	v54 =	vcvt.s32.f32 v6;
	v1 =	vsub.f32 v1, v7;
	v2 =	vsub.f32 v2, v8  }
0x104: {  	v57 =	vpsel !p1, $0x0, v0;
	v4 =	vadd.s32 v4, v5  }
0x105: {  	v3 =	vsub.f32 v3, v54;
	v55 =	vmul.f32 v1, v1;
	v56 =	vmul.f32 v2, v2  }
0x106: {  	[tilespmem:$0x4980] =	vst v57;
	v4 =	vadd.s32 v6, v4  }
0x107: {  	[tilespmem:$0x4C00] =	vst v4;
	v58 =	vmul.f32 v3, v3;
	v4 =	vadd.f32 v56, v55  }
0x108: {  	[tilespmem:$0x4B00] =	vst v3  }
0x109: {  	[tilespmem:$0x4A00] =	vst v1;
	v3 =	vadd.f32 v58, v4  }
0x10a: {  	[tilespmem:$0x4A80] =	vst v2  }
0x10b: {  	[tilespmem:$0x4B80] =	vst v3  }
0x10c: {  	v2 =	vld [tilespmem:s20+$0xFFFFFFD0]  }
0x10d: {  	v3 =	vld [tilespmem:s21+$0xFFFFFFD0];
	_ =	sdelay $0x1  }
0x10e: {  	v1 =	vld [tilespmem:s23+$0xFFFFFFD0];
	_ =	sdelay $0x2  }
0x10f: {  	v59 =	vtrunc.f32 v2;
	v61 =	vtrunc.f32 v3  }
0x110: {  	v4 =	vcvt.f32.s32 v59;
	v6 =	vcvt.f32.s32 v61  }
0x111: {  	v60 =	vtrunc.f32 v1  }
0x112: {  	v5 =	vcvt.f32.s32 v60;
	vm1 =	vlt.s32 v4, $0x3F;
	vm2 =	vlt.s32 v6, $0x3F  }
0x113: {  	v4 =	vnsel vm1, $0x3F, v4;
	v6 =	vnsel vm2, $0x3F, v6  }
0x114: {  	vm9 =	vlt.s32 v5, $0x3F;
	v63 =	vcvt.s32.f32 v4;
	v9 =	vcvt.s32.f32 v6  }
0x115: {  	s26 =	sadd.s32 $0x10, s25;
	v5 =	vnsel vm9, $0x3F, v5  }
0x116: {  	p0 =	slt.u32 s26, $0x30D40;
	v62 =	vcvt.s32.f32 v5;
	v2 =	vsub.f32 v2, v63;
	v3 =	vsub.f32 v3, v9  }
0x117: {  	v11 =	vpsel !p0, $0x0, v0;
	v4 =	vshll.u32 v4, $0xC;
	v6 =	vshll.u32 v6, $0x6  }
0x118: {  	v1 =	vsub.f32 v1, v62;
	v9 =	vmul.f32 v2, v2;
	v10 =	vmul.f32 v3, v3  }
0x119: {  	[tilespmem:$0x4990] =	vst v11;
	v4 =	vadd.s32 v4, v6  }
0x11a: {  	v4 =	vadd.s32 v5, v4;
	[tilespmem:$0x4B10] =	vst v1;
	v1 =	vmul.f32 v1, v1;
	v5 =	vadd.f32 v10, v9  }
0x11b: {  	[tilespmem:$0x4C10] =	vst v4  }
0x11c: {  	[tilespmem:$0x4A90] =	vst v3;
	v1 =	vadd.f32 v1, v5  }
0x11d: {  	[tilespmem:$0x4A10] =	vst v2  }
0x11e: {  	[tilespmem:$0x4B90] =	vst v1  }
0x11f: {  	v1 =	vld [tilespmem:s20+$0xFFFFFFE0]  }
0x120: {  	v2 =	vld [tilespmem:s21+$0xFFFFFFE0]  }
0x121: {  	v3 =	vld [tilespmem:s23+$0xFFFFFFE0];
	_ =	sdelay $0x3  }
0x122: {  	v12 =	vtrunc.f32 v1  }
0x123: {  	v13 =	vtrunc.f32 v2;
	v14 =	vtrunc.f32 v3  }
0x124: {  	v4 =	vcvt.f32.s32 v12;
	v5 =	vcvt.f32.s32 v13  }
0x125: {  	v6 =	vcvt.f32.s32 v14  }
0x126: {  	vm10 =	vlt.s32 v4, $0x3F;
	vm11 =	vlt.s32 v5, $0x3F  }
0x127: {  	vm12 =	vlt.s32 v6, $0x3F;
	v4 =	vnsel vm10, $0x3F, v4;
	v5 =	vnsel vm11, $0x3F, v5  }
0x128: {  	v6 =	vnsel vm12, $0x3F, v6;
	v15 =	vcvt.s32.f32 v4;
	v16 =	vcvt.s32.f32 v5  }
0x129: {  	s31 =	sadd.s32 $0x20, s25;
	v5 =	vshll.u32 v5, $0x6;
	v17 =	vcvt.s32.f32 v6  }
0x12a: {  	p6 =	slt.u32 s31, $0x30D40;
	v4 =	vshll.u32 v4, $0xC;
	v1 =	vsub.f32 v1, v15;
	v2 =	vsub.f32 v2, v16  }
0x12b: {  	v20 =	vpsel !p6, $0x0, v0;
	v4 =	vadd.s32 v4, v5  }
0x12c: {  	v3 =	vsub.f32 v3, v17;
	v18 =	vmul.f32 v1, v1;
	v19 =	vmul.f32 v2, v2  }
0x12d: {  	[tilespmem:$0x49A0] =	vst v20;
	v4 =	vadd.s32 v6, v4  }
0x12e: {  	[tilespmem:$0x4C20] =	vst v4;
	v21 =	vmul.f32 v3, v3;
	v5 =	vadd.f32 v19, v18  }
0x12f: {  	[tilespmem:$0x4A20] =	vst v1  }
0x130: {  	[tilespmem:$0x4AA0] =	vst v2;
	v1 =	vadd.f32 v21, v5  }
0x131: {  	[tilespmem:$0x4B20] =	vst v3  }
0x132: {  	[tilespmem:$0x4BA0] =	vst v1  }
0x133: {  	v1 =	vld [tilespmem:s20+$0xFFFFFFF0]  }
0x134: {  	v2 =	vld [tilespmem:s21+$0xFFFFFFF0]  }
0x135: {  	v3 =	vld [tilespmem:s23+$0xFFFFFFF0];
	_ =	sdelay $0x3  }
0x136: {  	v22 =	vtrunc.f32 v1  }
0x137: {  	v23 =	vtrunc.f32 v2;
	v24 =	vtrunc.f32 v3  }
0x138: {  	v4 =	vcvt.f32.s32 v22;
	v5 =	vcvt.f32.s32 v23  }
0x139: {  	v6 =	vcvt.f32.s32 v24  }
0x13a: {  	vm13 =	vlt.s32 v4, $0x3F;
	vm14 =	vlt.s32 v5, $0x3F  }
0x13b: {  	vm15 =	vlt.s32 v6, $0x3F;
	v4 =	vnsel vm13, $0x3F, v4;
	v5 =	vnsel vm14, $0x3F, v5  }
0x13c: {  	v6 =	vnsel vm15, $0x3F, v6;
	v25 =	vcvt.s32.f32 v4;
	v26 =	vcvt.s32.f32 v5  }
0x13d: {  	s31 =	sadd.s32 $0x30, s25;
	v5 =	vshll.u32 v5, $0x6;
	v27 =	vcvt.s32.f32 v6  }
0x13e: {  	p5 =	slt.u32 s31, $0x30D40;
	v4 =	vshll.u32 v4, $0xC;
	v1 =	vsub.f32 v1, v25;
	v2 =	vsub.f32 v2, v26  }
0x13f: {  	v30 =	vpsel !p5, $0x0, v0;
	v4 =	vadd.s32 v4, v5  }
0x140: {  	v3 =	vsub.f32 v3, v27;
	v28 =	vmul.f32 v1, v1;
	v29 =	vmul.f32 v2, v2  }
0x141: {  	[tilespmem:$0x49B0] =	vst v30;
	v4 =	vadd.s32 v6, v4  }
0x142: {  	[tilespmem:$0x4C30] =	vst v4;
	v31 =	vmul.f32 v3, v3;
	v5 =	vadd.f32 v29, v28  }
0x143: {  	[tilespmem:$0x4A30] =	vst v1  }
0x144: {  	[tilespmem:$0x4AB0] =	vst v2;
	v1 =	vadd.f32 v31, v5  }
0x145: {  	[tilespmem:$0x4B30] =	vst v3  }
0x146: {  	[tilespmem:$0x4BB0] =	vst v1  }
0x147: {  	v1 =	vld [tilespmem:s20+$0x0]  }
0x148: {  	v2 =	vld [tilespmem:s21+$0x0];
	_ =	sdelay $0x1  }
0x149: {  	v3 =	vld [tilespmem:s23+$0x0];
	_ =	sdelay $0x2  }
0x14a: {  	v32 =	vtrunc.f32 v1;
	v33 =	vtrunc.f32 v2  }
0x14b: {  	v4 =	vcvt.f32.s32 v32;
	v5 =	vcvt.f32.s32 v33  }
0x14c: {  	v34 =	vtrunc.f32 v3  }
0x14d: {  	v6 =	vcvt.f32.s32 v34;
	vm4 =	vlt.s32 v4, $0x3F;
	vm5 =	vlt.s32 v5, $0x3F  }
0x14e: {  	v4 =	vnsel vm4, $0x3F, v4;
	v5 =	vnsel vm5, $0x3F, v5  }
0x14f: {  	vm6 =	vlt.s32 v6, $0x3F;
	v35 =	vcvt.s32.f32 v4;
	v36 =	vcvt.s32.f32 v5  }
0x150: {  	v6 =	vnsel vm6, $0x3F, v6  }
0x151: {  	v37 =	vcvt.s32.f32 v6;
	v1 =	vsub.f32 v1, v35;
	v2 =	vsub.f32 v2, v36  }
0x152: {  	v4 =	vshll.u32 v4, $0xC;
	v5 =	vshll.u32 v5, $0x6  }
0x153: {  	v38 =	vmul.f32 v1, v1;
	[tilespmem:$0x4A40] =	vst v1;
	v1 =	vsub.f32 v3, v37;
	v3 =	vmul.f32 v2, v2  }
0x154: {  	v4 =	vadd.s32 v4, v5  }
0x155: {  	s26 =	sadd.s32 $0x40, s25;
	v4 =	vadd.s32 v6, v4;
	[tilespmem:$0x4AC0] =	vst v2;
	v2 =	vadd.f32 v3, v38;
	v3 =	vmul.f32 v1, v1  }
0x156: {  	p4 =	slt.u32 s26, $0x30D40;
	[tilespmem:$0x4C40] =	vst v4  }
0x157: {  	[tilespmem:$0x4B40] =	vst v1;
	v1 =	vadd.f32 v3, v2;
	v2 =	vpsel !p4, $0x0, v0  }
0x158: {  	[tilespmem:$0x49C0] =	vst v2  }
0x159: {  	[tilespmem:$0x4BC0] =	vst v1  }
0x15a: {  	v1 =	vld [tilespmem:s20+$0x10]  }
0x15b: {  	v2 =	vld [tilespmem:s21+$0x10];
	_ =	sdelay $0x1  }
0x15c: {  	v3 =	vld [tilespmem:s23+$0x10];
	_ =	sdelay $0x2  }
0x15d: {  	v40 =	vtrunc.f32 v1;
	v41 =	vtrunc.f32 v2  }
0x15e: {  	v4 =	vcvt.f32.s32 v40;
	v5 =	vcvt.f32.s32 v41  }
0x15f: {  	v42 =	vtrunc.f32 v3  }
0x160: {  	v6 =	vcvt.f32.s32 v42;
	vm7 =	vlt.s32 v4, $0x3F;
	vm8 =	vlt.s32 v5, $0x3F  }
0x161: {  	v4 =	vnsel vm7, $0x3F, v4;
	v5 =	vnsel vm8, $0x3F, v5  }
0x162: {  	vm9 =	vlt.s32 v6, $0x3F;
	v43 =	vcvt.s32.f32 v4;
	v44 =	vcvt.s32.f32 v5  }
0x163: {  	v6 =	vnsel vm9, $0x3F, v6  }
0x164: {  	v45 =	vcvt.s32.f32 v6;
	v1 =	vsub.f32 v1, v43;
	v2 =	vsub.f32 v2, v44  }
0x165: {  	s31 =	sadd.s32 $0x50, s25  }
0x166: {  	p3 =	slt.u32 s31, $0x30D40;
	v3 =	vsub.f32 v3, v45;
	[tilespmem:$0x4A50] =	vst v1;
	v1 =	vmul.f32 v1, v1;
	v46 =	vmul.f32 v2, v2  }
0x167: {  	v39 =	vpsel !p3, $0x0, v0;
	v5 =	vshll.u32 v5, $0x6;
	v4 =	vshll.u32 v4, $0xC  }
0x168: {  	v4 =	vadd.s32 v4, v5;
	[tilespmem:$0x4AD0] =	vst v2;
	v2 =	vmul.f32 v3, v3;
	v1 =	vadd.f32 v46, v1  }
0x169: {  	[tilespmem:$0x49D0] =	vst v39;
	v4 =	vadd.s32 v6, v4  }
0x16a: {  	[tilespmem:$0x4C50] =	vst v4;
	v1 =	vadd.f32 v2, v1  }
0x16b: {  	[tilespmem:$0x4B50] =	vst v3  }
0x16c: {  	[tilespmem:$0x4BD0] =	vst v1  }
0x16d: {  	v1 =	vld [tilespmem:s20+$0x20]  }
0x16e: {  	v3 =	vld [tilespmem:s21+$0x20];
	_ =	sdelay $0x1  }
0x16f: {  	v2 =	vld [tilespmem:s23+$0x20];
	_ =	sdelay $0x2  }
0x170: {  	v48 =	vtrunc.f32 v1;
	v50 =	vtrunc.f32 v3  }
0x171: {  	v4 =	vcvt.f32.s32 v48;
	v6 =	vcvt.f32.s32 v50  }
0x172: {  	v49 =	vtrunc.f32 v2  }
0x173: {  	v5 =	vcvt.f32.s32 v49;
	vm10 =	vlt.s32 v4, $0x3F;
	vm12 =	vlt.s32 v6, $0x3F  }
0x174: {  	v4 =	vnsel vm10, $0x3F, v4;
	v6 =	vnsel vm12, $0x3F, v6  }
0x175: {  	vm11 =	vlt.s32 v5, $0x3F;
	v51 =	vcvt.s32.f32 v4;
	v52 =	vcvt.s32.f32 v6  }
0x176: {  	v5 =	vnsel vm11, $0x3F, v5;
	v4 =	vshll.u32 v4, $0xC;
	v6 =	vshll.u32 v6, $0x6  }
0x177: {  	v53 =	vcvt.s32.f32 v5;
	v1 =	vsub.f32 v1, v51;
	v3 =	vsub.f32 v3, v52  }
0x178: {  	v4 =	vadd.s32 v4, v6  }
0x179: {  	v2 =	vsub.f32 v2, v53;
	v54 =	vmul.f32 v1, v1;
	[tilespmem:$0x4A60] =	vst v1;
	v55 =	vmul.f32 v3, v3  }
0x17a: {  	s31 =	sadd.s32 $0x60, s25;
	v1 =	vadd.s32 v5, v4;
	[tilespmem:$0x4AE0] =	vst v3  }
0x17b: {  	p2 =	slt.u32 s31, $0x30D40;
	v3 =	vmul.f32 v2, v2;
	[tilespmem:$0x4C60] =	vst v1;
	v1 =	vadd.f32 v55, v54  }
0x17c: {  	v47 =	vpsel !p2, $0x0, v0  }
0x17d: {  	[tilespmem:$0x49E0] =	vst v47;
	v1 =	vadd.f32 v3, v1  }
0x17e: {  	[tilespmem:$0x4B60] =	vst v2  }
0x17f: {  	[tilespmem:$0x4BE0] =	vst v1  }
0x180: {  	v1 =	vld [tilespmem:s20+$0x30]  }
0x181: {  	v2 =	vld [tilespmem:s21+$0x30];
	_ =	sdelay $0x1  }
0x182: {  	v3 =	vld [tilespmem:s23+$0x30];
	_ =	sdelay $0x2  }
0x183: {  	v57 =	vtrunc.f32 v1;
	v58 =	vtrunc.f32 v2  }
0x184: {  	v4 =	vcvt.f32.s32 v57;
	v5 =	vcvt.f32.s32 v58  }
0x185: {  	v59 =	vtrunc.f32 v3  }
0x186: {  	v6 =	vcvt.f32.s32 v59;
	vm13 =	vlt.s32 v4, $0x3F;
	vm14 =	vlt.s32 v5, $0x3F  }
0x187: {  	v4 =	vnsel vm13, $0x3F, v4;
	v5 =	vnsel vm14, $0x3F, v5  }
0x188: {  	vm15 =	vlt.s32 v6, $0x3F;
	v60 =	vcvt.s32.f32 v4;
	v61 =	vcvt.s32.f32 v5  }
0x189: {  	v6 =	vnsel vm15, $0x3F, v6  }
0x18a: {  	v62 =	vcvt.s32.f32 v6;
	v1 =	vsub.f32 v1, v60;
	v2 =	vsub.f32 v2, v61  }
0x18b: {  	s25 =	sadd.s32 $0x70, s25  }
0x18c: {  	p1 =	slt.u32 s25, $0x30D40;
	v3 =	vsub.f32 v3, v62;
	v63 =	vmul.f32 v1, v1;
	[tilespmem:$0x4A70] =	vst v1;
	v1 =	vmul.f32 v2, v2  }
0x18d: {  	v56 =	vpsel !p1, $0x0, v0;
	v5 =	vshll.u32 v5, $0x6;
	v4 =	vshll.u32 v4, $0xC  }
0x18e: {  	v4 =	vadd.s32 v4, v5;
	[tilespmem:$0x4AF0] =	vst v2;
	v2 =	vmul.f32 v3, v3;
	v1 =	vadd.f32 v1, v63  }
0x18f: {  	[tilespmem:$0x49F0] =	vst v56;
	v4 =	vadd.s32 v6, v4  }
0x190: {  	[tilespmem:$0x4C70] =	vst v4;
	v1 =	vadd.f32 v2, v1  }
0x191: {  	[tilespmem:$0x4B70] =	vst v3  }
0x192: {  	[tilespmem:$0x4BF0] =	vst v1  }
0x193: {  	[spmem:s0] =	stream.indirect.scatter.add.f32 [tilespmem:s30], [sflag:$0x1], $0x1, s29, s3, $0xb8;
	[tilespmem:$0x1CC80] =	vst v63  }
0x194: {  	_ = 	snop  }
0x195: {  	[spmem:s1] =	stream.indirect.scatter.add.f32 [tilespmem:s4], [sflag:$0x1], $0x1, s29, s3, $0xb8;
	[tilespmem:$0x1CC80] =	vst v63  }
0x196: {  	_ = 	snop  }
0x197: {  	[spmem:s2] =	stream.indirect.scatter.add.f32 [tilespmem:s9], [sflag:$0x1], $0x1, s29, s3, $0xb8;
	[tilespmem:$0x1CC80] =	vst v63  }
0x198: {  	_ = 	snop  }
0x199: {  	[spmem:s5] =	stream.indirect.scatter.add.f32 [tilespmem:s10], [sflag:$0x1], $0x1, s29, s3, $0xb8;
	[tilespmem:$0x1CC80] =	vst v63  }
0x19a: {  	_ = 	snop  }
0x19b: {  	[spmem:s6] =	stream.indirect.scatter.add.f32 [tilespmem:s11], [sflag:$0x1], $0x1, s29, s3, $0xb8;
	[tilespmem:$0x1CC80] =	vst v63  }
0x19c: {  	_ =	swait.ge [sflag:s12], $0x80  }
0x19d: {  	[sflag:s12] =	ssyncset.done $0x0  }
0x19e: {  	[sflag:s12] =	ssyncadd.s32 $0xFFFFFF80  }
0x19f: {  	_ =	swait.ge [sflag:s12], $0x80  }
0x1a0: {  	s31 =	sld [smem:$0x7FD];
	_ =	sdelay $0x2  }
0x1a1: {  	p0 =	seq.s32 s31, $0x1  }
.Ltmp0:
0x1a2: {  	_ = 	snop;
	(pc) =	sbr.rel @p0 .LBB2_2-.Ltmp0, $2  }
0x1a3: {  	_ =	sdelay $0x2  }
0x1a4: {  	s24 =	sadd.s32 $0x80, s24;
	[sflag:s12] =	ssyncset.done $0x0  }
0x1a5: {  	[sflag:s12] =	ssyncadd.s32 $0xFFFFFF80  }
0x1a6: {  	_ =	swait.ge [sflag:s12], $0x80  }
0x1a7: {  	[sflag:s12] =	ssyncset.done $0x0  }
0x1a8: {  	[sflag:s12] =	ssyncadd.s32 $0xFFFFFF80  }
0x1a9: {  	_ =	swait.ge [sflag:s12], $0x80  }
0x1aa: {  	[sflag:s12] =	ssyncset.done $0x0  }
0x1ab: {  	[sflag:s12] =	ssyncadd.s32 $0xFFFFFF80  }
0x1ac: {  	_ =	swait.ge [sflag:s12], $0x80  }
0x1ad: {  	[sflag:s12] =	ssyncset.done $0x0  }
0x1ae: {  	[sflag:s12] =	ssyncadd.s32 $0xFFFFFF80  }
0x1af: {  	[bflag:$0x0] =	sbarrier.arrive $0xFFFF  }
0x1b0: {  	s20 =	rddreg [dreg:$0xf]  }
0x1b1: {  	[hbm:s20], [sflag:s14] =	dma.local [spmem:s15], $0x800  }
0x1b2: {  	_ =	swait.ge [sflag:s28], $0x800  }
0x1b3: {  	[sflag:s28] =	ssyncset.done $0x0  }
0x1b4: {  	s31 =	rddreg [dreg:$0x10];
	[sflag:s28] =	ssyncadd.s32 $0xFFFFF800  }
0x1b5: {  	[hbm:s31], [sflag:s14] =	dma.local [spmem:s16], $0x800  }
0x1b6: {  	_ =	swait.ge [sflag:s28], $0x800  }
0x1b7: {  	[sflag:s28] =	ssyncset.done $0x0  }
0x1b8: {  	s20 =	rddreg [dreg:$0x11];
	[sflag:s28] =	ssyncadd.s32 $0xFFFFF800  }
0x1b9: {  	[hbm:s20], [sflag:s14] =	dma.local [spmem:s17], $0x800  }
0x1ba: {  	_ =	swait.ge [sflag:s28], $0x800  }
0x1bb: {  	[sflag:s28] =	ssyncset.done $0x0  }
0x1bc: {  	s21 =	rddreg [dreg:$0x12];
	[sflag:s28] =	ssyncadd.s32 $0xFFFFF800  }
0x1bd: {  	[hbm:s21], [sflag:s14] =	dma.local [spmem:s18], $0x800  }
0x1be: {  	_ =	swait.ge [sflag:s28], $0x800  }
0x1bf: {  	[sflag:s28] =	ssyncset.done $0x0  }
0x1c0: {  	s23 =	rddreg [dreg:$0x13];
	[sflag:s28] =	ssyncadd.s32 $0xFFFFF800  }
0x1c1: {  	[hbm:s23], [sflag:s14] =	dma.local [spmem:s19], $0x800  }
0x1c2: {  	_ =	swait.ge [sflag:s28], $0x800  }
0x1c3: {  	[sflag:s28] =	ssyncset.done $0x0  }
0x1c4: {  	s20 =	simm.s32 $0x4C80;
	s24 =	rddreg [dreg:$0x14];
	[sflag:s28] =	ssyncadd.s32 $0xFFFFF800  }
0x1c5: {  	[hbm4b:s24+s7] =	stream.linear.scatter [tilespmem:s20], [sflag:$0x2], $0x4000, $0x38;
	[tilespmem:$0x1CC80] =	vst v63  }
0x1c6: {  	_ =	swait.ge [sflag:s28], $0x4000  }
0x1c7: {  	[sflag:s28] =	ssyncset.done $0x0  }
0x1c8: {  	s25 =	rddreg [dreg:$0x15];
	[sflag:s28] =	ssyncadd.s32 $0xFFFFC000  }
0x1c9: {  	[hbm4b:s25+s7] =	stream.linear.scatter [tilespmem:s20], [sflag:$0x2], $0x4000, $0x38;
	[tilespmem:$0x1CC80] =	vst v63  }
0x1ca: {  	_ =	swait.ge [sflag:s28], $0x4000  }
0x1cb: {  	[sflag:s28] =	ssyncset.done $0x0  }
0x1cc: {  	s26 =	rddreg [dreg:$0x16];
	[sflag:s28] =	ssyncadd.s32 $0xFFFFC000  }
0x1cd: {  	[hbm4b:s26+s7] =	stream.linear.scatter [tilespmem:s20], [sflag:$0x2], $0x4000, $0x38;
	[tilespmem:$0x1CC80] =	vst v63  }
0x1ce: {  	_ =	swait.ge [sflag:s28], $0x4000  }
0x1cf: {  	s13 =	sadd.s32 $0x1, s13;
	s31 =	rddreg [dreg:$0x17]  }
0x1d0: {  	p0 =	sne.s32 s13, s31  }
.Ltmp1:
0x1d1: {  	_ = 	snop;
	(pc) =	sbr.rel @p0 .LBB2_1-.Ltmp1, $3  }
0x1d2: {  	_ =	sdelay $0x1  }
0x1d3: {  	[sflag:s28] =	ssyncset.done $0x0  }
0x1d4: {  	[sflag:s28] =	ssyncadd.s32 $0xFFFFC000  }
0x1d5: {  	_ =	sfence.sel $0x180000  }
0x1d6: {  	[bflag:$0x0] =	sbarrier.arrive $0xFFFF  }
0x1d7: {  	_ =	strace $0x90000047  }
0x1d8: {  	s0 =	stileid.u32;
	[bflag:$0x2] =	sbarrier.arrive $0xFFFF  }
0x1d9: {  	p0 =	sne.s32 s0, $0x0;
	s0 =	rddreg [dreg:$0x6]  }
0x1da: {  	s0 =	sadd.s32 @!p0 $0x100000, s0  }
0x1db: {  	[sflag:s0] =	ssyncadd.tile.s32 @!p0 $0x1;
	_ =	shalt  }
.Lfunc_end2:
_tile_overlayer_lowered:
.L_overlay_start_2:
0x1dc: {  	(tag) =	ssettag $0x2  }
0x1dd: {  	s0 =	rddreg [dreg:$0x0];
	s2 =	stileid.u32  }
0x1de: {  	s1 =	rddreg [dreg:$0x1];
	p0 =	sne.s32 s2, $0x0  }
0x1df: {  	s3 =	rddreg [dreg:$0x2];
	[bflag:$0x3] =	sbarrier.arrive $0xFFFF;
	s2 =	simm.s32 @!p0 $0x1C02  }
0x1e0: {  	[timem:s3], [sflag:s2] =	dma.local @!p0 [hbm:s0], s1  }
0x1e1: {  	s0 =	simm.s32 @!p0 $0x2  }
0x1e2: {  	_ =	swait.ge @!p0 [sflag:s0], s1  }
0x1e3: {  	s1 =	ssub.s32 @!p0 $0x0, s1;
	[sflag:s0] =	ssyncset.done @!p0 $0x0  }
0x1e4: {  	[sflag:s0] =	ssyncadd.s32 @!p0 s1  }
0x1e5: {  	[bflag:$0x3] =	sbarrier.arrive $0xFFFF  }
0x1e6: {  	_ =	shalt  }

</sc_bundles>
